<compile_context>
chip_gen: v7x
topology: tpu7x:2x2x1
jax: 0.10.2.dev20260603
libtpu: 0.0.44.dev20260713+nightly
codegen_flags: <defaults>
</compile_context>

<pallas_src>
import jax
import jax.numpy as jnp
from jax.experimental import pallas as pl
from jax.experimental.pallas import tpu as pltpu
from jax.experimental.pallas import tpu_sc as plsc

_BLK = 16
_LANES = 16


def kernel(x, pos_table):
    B, S, D = x.shape
    mesh = plsc.VectorSubcoreMesh(core_axis_name="c", subcore_axis_name="s")

    @pl.kernel(out_type=jax.ShapeDtypeStruct((B, S, D), x.dtype), mesh=mesh)
    def sc_kernel(x_hbm, p_hbm, o_hbm):
        def body(x_vmem, p_vmem, o_vmem):
            @pl.loop(0, _BLK)
            def _(r):
                @pl.loop(0, D, step=_LANES)
                def _(c):
                    o_vmem.at[0, r, pl.ds(c, _LANES)][...] = (
                        x_vmem.at[0, r, pl.ds(c, _LANES)][...]
                        + p_vmem.at[r, pl.ds(c, _LANES)][...]
                    )

        pltpu.emit_pipeline(
            body,
            grid=(B, S // _BLK),
            in_specs=[
                pl.BlockSpec((1, _BLK, D), index_map=lambda b, i: (b, i, 0)),
                pl.BlockSpec((_BLK, D), index_map=lambda b, i: (i, 0)),
            ],
            out_specs=[pl.BlockSpec((1, _BLK, D), index_map=lambda b, i: (b, i, 0))],
            core_axis_name=("c", "s"),
            dimension_semantics=(pltpu.PARALLEL, pltpu.PARALLEL),
        )(x_hbm, p_hbm, o_hbm)

    return sc_kernel(x, pos_table)

# --- scband reference (transcript-rebuilt; emitter-appended) ---
"""Pipeline reference for scband-learned-positional-encoding-33947421508156 (READ-ONLY COPY).

The authoritative reference and input builder live on the scoring server;
editing this copy changes nothing except your own understanding.
"""

import jax, jax.numpy as jnp
import numpy as np

B, S, D = 4, 8192, 768
MAX_LEN = 8192

def setup_inputs(seed: int = 0) -> dict:
    key = jax.random.key(seed)
    k1, k2 = jax.random.split(key)
    x = jax.random.normal(k1, (B, S, D), dtype=jnp.float32)
    # learned positional embedding table, nn.Embedding default init: N(0, 1)
    pos_table = jax.random.normal(k2, (MAX_LEN, D), dtype=jnp.float32)
    return {"x": x, "pos_table": pos_table}

def reference(x, pos_table):
    # positions = arange(seq_len); lookup into learned table; add to x.
    # Dropout is identity in eval mode.
    positions = jnp.arange(x.shape[1])
    pos_emb = jnp.take(pos_table, positions, axis=0)  # [S, D]
    out = x + pos_emb[None, :, :]
    return out

if __name__ == "__main__":
    import jax
    _d = setup_inputs()
    print(jax.jit(kernel)(*tuple(_d.values())))

</pallas_src>

<mosaic_0001>
#map = affine_map<(d0, d1) -> (0, 0, 0)>
#map1 = affine_map<(d0, d1) -> (0, 0)>
module attributes {stable_mosaic.version = 14 : i64} {
  func.func @sc_kernel(%arg0: i32, %arg1: i32, %arg2: memref<4x8192x768xf32, #tpu.memory_space<hbm>>, %arg3: memref<8192x768xf32, #tpu.memory_space<hbm>>, %arg4: memref<4x8192x768xf32, #tpu.memory_space<hbm>>) attributes {dimension_semantics = [#tpu.dimension_semantics<core_parallel>, #tpu.dimension_semantics<subcore_parallel>], iteration_bounds = array<i64: 2, 16>, scalar_prefetch = 0 : i64, scratch_operands = 0 : i64, tpu.core_type = #tpu.core_type<sc_vector_subcore>, window_params = [{transform_indices = #map}, {transform_indices = #map1}, {transform_indices = #map}]} {
    %mul3A = arith.constant 1 : i32
    %mul3A_0 = arith.muli %arg1, %mul3A : i32
    %add3A = arith.constant 0 : i32
    %add3A_1 = arith.addi %add3A, %mul3A_0 : i32
    %mul3A_2 = arith.constant 16 : i32
    %mul3A_3 = arith.muli %arg0, %mul3A_2 : i32
    %add3A_4 = arith.addi %add3A_1, %mul3A_3 : i32
    %mul3A_5 = arith.constant 16 : i32
    %mul3A_6 = arith.muli %add3A_4, %mul3A_5 : i32
    "tpu.region"() ({
      %run_scoped3A = memref.alloca() : memref<2x1x16x768xf32, #tpu.memory_space<vmem>>
      %run_scoped3A_7 = tpu.sem_alloc : memref<2x!tpu.dma_semaphore, #tpu.memory_space<semaphore_mem>>
      %run_scoped3A_8 = memref.alloca() : memref<2x16x768xf32, #tpu.memory_space<vmem>>
      %run_scoped3A_9 = tpu.sem_alloc : memref<2x!tpu.dma_semaphore, #tpu.memory_space<semaphore_mem>>
      %run_scoped3A_10 = memref.alloca() : memref<2x1x16x768xf32, #tpu.memory_space<vmem>>
      %run_scoped3A_11 = tpu.sem_alloc : memref<2x!tpu.dma_semaphore, #tpu.memory_space<semaphore_mem>>
      %add3A_12 = arith.constant 0 : i32
      %add3A_13 = arith.addi %add3A_12, %mul3A_6 : i32
      %select_n3A = arith.constant true
      %select_n3A_14 = arith.constant 0 : i32
      %select_n3A_15 = arith.constant -1 : i32
      %select_n3A_16 = arith.select %select_n3A, %select_n3A_15, %select_n3A_14 : i32
      %eq3A = arith.constant -1 : i32
      %eq3A_17 = arith.cmpi eq, %select_n3A_16, %eq3A : i32
      %select_n3A_18 = arith.constant 15 : i32
      %select_n3A_19 = arith.select %eq3A_17, %select_n3A_18, %select_n3A_16 : i32
      %select_n3A_20 = arith.constant 0 : i32
      %select_n3A_21 = arith.constant -1 : i32
      %select_n3A_22 = arith.select %eq3A_17, %select_n3A_21, %select_n3A_20 : i32
      %eq3A_23 = arith.constant -1 : i32
      %eq3A_24 = arith.cmpi eq, %select_n3A_22, %eq3A_23 : i32
      %select_n3A_25 = arith.constant 3 : i32
      %select_n3A_26 = arith.select %eq3A_24, %select_n3A_25, %select_n3A_22 : i32
      %add3A_27 = arith.constant 0 : i32
      %add3A_28 = arith.addi %select_n3A_26, %add3A_27 : i32
      %add3A_29 = arith.addi %select_n3A_19, %mul3A_6 : i32
      %select_n3A_30 = arith.constant true
      %select_n3A_31 = arith.constant 0 : i32
      %select_n3A_32 = arith.constant 1 : i32
      %select_n3A_33 = arith.select %select_n3A_30, %select_n3A_32, %select_n3A_31 : i32
      %eq3A_34 = arith.constant 16 : i32
      %eq3A_35 = arith.cmpi eq, %select_n3A_33, %eq3A_34 : i32
      %select_n3A_36 = arith.constant 0 : i32
      %select_n3A_37 = arith.select %eq3A_35, %select_n3A_36, %select_n3A_33 : i32
      %select_n3A_38 = arith.constant 0 : i32
      %select_n3A_39 = arith.constant 1 : i32
      %select_n3A_40 = arith.select %eq3A_35, %select_n3A_39, %select_n3A_38 : i32
      %eq3A_41 = arith.constant 4 : i32
      %eq3A_42 = arith.cmpi eq, %select_n3A_40, %eq3A_41 : i32
      %select_n3A_43 = arith.constant 0 : i32
      %select_n3A_44 = arith.select %eq3A_42, %select_n3A_43, %select_n3A_40 : i32
      %add3A_45 = arith.constant 0 : i32
      %add3A_46 = arith.addi %select_n3A_44, %add3A_45 : i32
      %add3A_47 = arith.addi %select_n3A_37, %mul3A_6 : i32
      %add3A_48 = arith.constant 1 : i32
      %add3A_49 = arith.addi %select_n3A_37, %add3A_48 : i32
      %select_n3A_50 = arith.constant true
      %select_n3A_51 = arith.select %select_n3A_50, %add3A_49, %select_n3A_37 : i32
      %eq3A_52 = arith.constant 16 : i32
      %eq3A_53 = arith.cmpi eq, %select_n3A_51, %eq3A_52 : i32
      %select_n3A_54 = arith.constant 0 : i32
      %select_n3A_55 = arith.select %eq3A_53, %select_n3A_54, %select_n3A_51 : i32
      %add3A_56 = arith.constant 1 : i32
      %add3A_57 = arith.addi %select_n3A_44, %add3A_56 : i32
      %select_n3A_58 = arith.select %eq3A_53, %add3A_57, %select_n3A_44 : i32
      %eq3A_59 = arith.constant 4 : i32
      %eq3A_60 = arith.cmpi eq, %select_n3A_58, %eq3A_59 : i32
      %select_n3A_61 = arith.constant 0 : i32
      %select_n3A_62 = arith.select %eq3A_60, %select_n3A_61, %select_n3A_58 : i32
      %add3A_63 = arith.constant 0 : i32
      %add3A_64 = arith.addi %select_n3A_62, %add3A_63 : i32
      %add3A_65 = arith.addi %select_n3A_55, %mul3A_6 : i32
      "tpu.trace_start"() <{level = 10 : i32, message = "ep_initialize_0"}> : () -> ()
      %rem3A = arith.constant 0 : i32
      %rem3A_66 = arith.constant 2 : i32
      %rem3A_67 = arith.remui %rem3A, %rem3A_66 : i32
      %mul3A_68 = arith.constant 16 : i32
      %mul3A_69 = arith.muli %mul3A_68, %add3A_13 : i32
      %dma_start3A = arith.constant 0 : i32
      %dma_start3A_70 = arith.constant 0 : i32
      %dma_start3A_71 = arith.constant 0 : i32
      %dma_start3A_72 = tpu.memref_slice %run_scoped3A[%rem3A_67, %dma_start3A, %dma_start3A_70, %dma_start3A_71] : memref<2x1x16x768xf32, #tpu.memory_space<vmem>> -> memref<1x1x16x768xf32, #tpu.memory_space<vmem>>
      %dma_start3A_73 = tpu.memref_squeeze %dma_start3A_72 : memref<1x1x16x768xf32, #tpu.memory_space<vmem>> -> memref<1x16x768xf32, #tpu.memory_space<vmem>>
      %dma_start3A_74 = arith.constant 0 : i32
      %dma_start3A_75 = arith.constant 0 : i32
      %dma_start3A_76 = tpu.memref_slice %arg2[%dma_start3A_74, %mul3A_69, %dma_start3A_75] : memref<4x8192x768xf32, #tpu.memory_space<hbm>> -> memref<1x16x768xf32, #tpu.memory_space<hbm>>
      %dma_start3A_77 = tpu.memref_slice %run_scoped3A_7[%rem3A_67] : memref<2x!tpu.dma_semaphore, #tpu.memory_space<semaphore_mem>> -> memref<1x!tpu.dma_semaphore, #tpu.memory_space<semaphore_mem>>
      %dma_start3A_78 = tpu.memref_squeeze %dma_start3A_77 : memref<1x!tpu.dma_semaphore, #tpu.memory_space<semaphore_mem>> -> memref<!tpu.dma_semaphore, #tpu.memory_space<semaphore_mem>>
      %dma_start3A_79 = arith.constant 0 : i32
      %dma_start3A_80 = arith.constant 0 : i32
      %dma_start3A_81 = arith.constant 0 : i32
      %dma_start3A_82 = tpu.memref_slice %run_scoped3A[%rem3A_67, %dma_start3A_79, %dma_start3A_80, %dma_start3A_81] : memref<2x1x16x768xf32, #tpu.memory_space<vmem>> -> memref<1x1x16x768xf32, #tpu.memory_space<vmem>>
      %dma_start3A_83 = tpu.memref_squeeze %dma_start3A_82 : memref<1x1x16x768xf32, #tpu.memory_space<vmem>> -> memref<1x16x768xf32, #tpu.memory_space<vmem>>
      %dma_start3A_84 = arith.constant 0 : i32
      %dma_start3A_85 = arith.constant 0 : i32
      %dma_start3A_86 = tpu.memref_slice %arg2[%dma_start3A_84, %mul3A_69, %dma_start3A_85] : memref<4x8192x768xf32, #tpu.memory_space<hbm>> -> memref<1x16x768xf32, #tpu.memory_space<hbm>>
      tpu.enqueue_dma source(%dma_start3A_86 : memref<1x16x768xf32, #tpu.memory_space<hbm>>) target(%dma_start3A_83 : memref<1x16x768xf32, #tpu.memory_space<vmem>>) target_semaphore(%dma_start3A_78 : memref<!tpu.dma_semaphore, #tpu.memory_space<semaphore_mem>>)
      %add3A_87 = arith.constant 0 : i32
      %add3A_88 = arith.constant 1 : i32
      %add3A_89 = arith.addi %add3A_87, %add3A_88 : i32
      %select_n3A_90 = arith.constant true
      %select_n3A_91 = arith.constant 0 : i32
      %select_n3A_92 = arith.select %select_n3A_90, %add3A_89, %select_n3A_91 : i32
      %rem3A_93 = arith.constant 0 : i32
      %rem3A_94 = arith.constant 2 : i32
      %rem3A_95 = arith.remui %rem3A_93, %rem3A_94 : i32
      %mul3A_96 = arith.constant 16 : i32
      %mul3A_97 = arith.muli %mul3A_96, %add3A_13 : i32
      %dma_start3A_98 = arith.constant 0 : i32
      %dma_start3A_99 = arith.constant 0 : i32
      %dma_start3A_100 = tpu.memref_slice %run_scoped3A_8[%rem3A_95, %dma_start3A_98, %dma_start3A_99] : memref<2x16x768xf32, #tpu.memory_space<vmem>> -> memref<1x16x768xf32, #tpu.memory_space<vmem>>
      %dma_start3A_101 = tpu.memref_squeeze %dma_start3A_100 : memref<1x16x768xf32, #tpu.memory_space<vmem>> -> memref<16x768xf32, #tpu.memory_space<vmem>>
      %dma_start3A_102 = arith.constant 0 : i32
      %dma_start3A_103 = tpu.memref_slice %arg3[%mul3A_97, %dma_start3A_102] : memref<8192x768xf32, #tpu.memory_space<hbm>> -> memref<16x768xf32, #tpu.memory_space<hbm>>
      %dma_start3A_104 = tpu.memref_slice %run_scoped3A_9[%rem3A_95] : memref<2x!tpu.dma_semaphore, #tpu.memory_space<semaphore_mem>> -> memref<1x!tpu.dma_semaphore, #tpu.memory_space<semaphore_mem>>
      %dma_start3A_105 = tpu.memref_squeeze %dma_start3A_104 : memref<1x!tpu.dma_semaphore, #tpu.memory_space<semaphore_mem>> -> memref<!tpu.dma_semaphore, #tpu.memory_space<semaphore_mem>>
      %dma_start3A_106 = arith.constant 0 : i32
      %dma_start3A_107 = arith.constant 0 : i32
      %dma_start3A_108 = tpu.memref_slice %run_scoped3A_8[%rem3A_95, %dma_start3A_106, %dma_start3A_107] : memref<2x16x768xf32, #tpu.memory_space<vmem>> -> memref<1x16x768xf32, #tpu.memory_space<vmem>>
      %dma_start3A_109 = tpu.memref_squeeze %dma_start3A_108 : memref<1x16x768xf32, #tpu.memory_space<vmem>> -> memref<16x768xf32, #tpu.memory_space<vmem>>
      %dma_start3A_110 = arith.constant 0 : i32
      %dma_start3A_111 = tpu.memref_slice %arg3[%mul3A_97, %dma_start3A_110] : memref<8192x768xf32, #tpu.memory_space<hbm>> -> memref<16x768xf32, #tpu.memory_space<hbm>>
      tpu.enqueue_dma source(%dma_start3A_111 : memref<16x768xf32, #tpu.memory_space<hbm>>) target(%dma_start3A_109 : memref<16x768xf32, #tpu.memory_space<vmem>>) target_semaphore(%dma_start3A_105 : memref<!tpu.dma_semaphore, #tpu.memory_space<semaphore_mem>>)
      %add3A_112 = arith.constant 0 : i32
      %add3A_113 = arith.constant 1 : i32
      %add3A_114 = arith.addi %add3A_112, %add3A_113 : i32
      %select_n3A_115 = arith.constant true
      %select_n3A_116 = arith.constant 0 : i32
      %select_n3A_117 = arith.select %select_n3A_115, %add3A_114, %select_n3A_116 : i32
      "tpu.trace_stop"() : () -> ()
      %scan3A = arith.constant 0 : i32
      %scan3A_118 = arith.constant 0 : i32
      %scan3A_119 = arith.constant 0 : i32
      %scan3A_120 = arith.constant 0 : i32
      %scan3A_121 = arith.constant 0 : i32
      %scan3A_122 = arith.constant 0 : i32
      %scan3A_123 = arith.constant 0 : i32
      %scan3A_124 = arith.constant 64 : i32
      %scan3A_125 = arith.addi %scan3A_123, %scan3A_124 : i32
      %scan3A_126 = arith.constant 1 : i32
      %scan3A_127:8 = scf.for %scan3A_221 = %scan3A_123 to %scan3A_125 step %scan3A_126 iter_args(%scan3A_222 = %select_n3A_92, %scan3A_223 = %scan3A, %scan3A_224 = %select_n3A_117, %scan3A_225 = %scan3A_118, %scan3A_226 = %scan3A_119, %scan3A_227 = %scan3A_120, %scan3A_228 = %scan3A_121, %scan3A_229 = %scan3A_122) -> (i32, i32, i32, i32, i32, i32, i32, i32)  : i32 {
        %eq3A_230 = arith.constant 0 : i32
        %eq3A_231 = arith.cmpi eq, %scan3A_221, %eq3A_230 : i32
        %eq3A_232 = arith.constant 63 : i32
        %eq3A_233 = arith.cmpi eq, %scan3A_221, %eq3A_232 : i32
        %add3A_234 = arith.constant 0 : i32
        %add3A_235 = arith.addi %scan3A_228, %add3A_234 : i32
        %add3A_236 = arith.addi %scan3A_229, %mul3A_6 : i32
        %sub3A_237 = arith.constant 1 : i32
        %sub3A_238 = arith.subi %scan3A_229, %sub3A_237 : i32
        %select_n3A_239 = arith.constant true
        %select_n3A_240 = arith.select %select_n3A_239, %sub3A_238, %scan3A_229 : i32
        %eq3A_241 = arith.constant -1 : i32
        %eq3A_242 = arith.cmpi eq, %select_n3A_240, %eq3A_241 : i32
        %select_n3A_243 = arith.constant 15 : i32
        %select_n3A_244 = arith.select %eq3A_242, %select_n3A_243, %select_n3A_240 : i32
        %sub3A_245 = arith.constant 1 : i32
        %sub3A_246 = arith.subi %scan3A_228, %sub3A_245 : i32
        %select_n3A_247 = arith.select %eq3A_242, %sub3A_246, %scan3A_228 : i32
        %eq3A_248 = arith.constant -1 : i32
        %eq3A_249 = arith.cmpi eq, %select_n3A_247, %eq3A_248 : i32
        %select_n3A_250 = arith.constant 3 : i32
        %select_n3A_251 = arith.select %eq3A_249, %select_n3A_250, %select_n3A_247 : i32
        %add3A_252 = arith.constant 0 : i32
        %add3A_253 = arith.addi %select_n3A_251, %add3A_252 : i32
        %add3A_254 = arith.addi %select_n3A_244, %mul3A_6 : i32
        %add3A_255 = arith.constant 1 : i32
        %add3A_256 = arith.addi %scan3A_229, %add3A_255 : i32
        %select_n3A_257 = arith.constant true
        %select_n3A_258 = arith.select %select_n3A_257, %add3A_256, %scan3A_229 : i32
        %eq3A_259 = arith.constant 16 : i32
        %eq3A_260 = arith.cmpi eq, %select_n3A_258, %eq3A_259 : i32
        %select_n3A_261 = arith.constant 0 : i32
        %select_n3A_262 = arith.select %eq3A_260, %select_n3A_261, %select_n3A_258 : i32
        %add3A_263 = arith.constant 1 : i32
        %add3A_264 = arith.addi %scan3A_228, %add3A_263 : i32
        %select_n3A_265 = arith.select %eq3A_260, %add3A_264, %scan3A_228 : i32
        %eq3A_266 = arith.constant 4 : i32
        %eq3A_267 = arith.cmpi eq, %select_n3A_265, %eq3A_266 : i32
        %select_n3A_268 = arith.constant 0 : i32
        %select_n3A_269 = arith.select %eq3A_267, %select_n3A_268, %select_n3A_265 : i32
        %add3A_270 = arith.constant 0 : i32
        %add3A_271 = arith.addi %select_n3A_269, %add3A_270 : i32
        %add3A_272 = arith.addi %select_n3A_262, %mul3A_6 : i32
        %add3A_273 = arith.constant 1 : i32
        %add3A_274 = arith.addi %select_n3A_262, %add3A_273 : i32
        %select_n3A_275 = arith.constant true
        %select_n3A_276 = arith.select %select_n3A_275, %add3A_274, %select_n3A_262 : i32
        %eq3A_277 = arith.constant 16 : i32
        %eq3A_278 = arith.cmpi eq, %select_n3A_276, %eq3A_277 : i32
        %select_n3A_279 = arith.constant 0 : i32
        %select_n3A_280 = arith.select %eq3A_278, %select_n3A_279, %select_n3A_276 : i32
        %add3A_281 = arith.constant 1 : i32
        %add3A_282 = arith.addi %select_n3A_269, %add3A_281 : i32
        %select_n3A_283 = arith.select %eq3A_278, %add3A_282, %select_n3A_269 : i32
        %eq3A_284 = arith.constant 4 : i32
        %eq3A_285 = arith.cmpi eq, %select_n3A_283, %eq3A_284 : i32
        %select_n3A_286 = arith.constant 0 : i32
        %select_n3A_287 = arith.select %eq3A_285, %select_n3A_286, %select_n3A_283 : i32
        %add3A_288 = arith.constant 0 : i32
        %add3A_289 = arith.addi %select_n3A_287, %add3A_288 : i32
        %add3A_290 = arith.addi %select_n3A_280, %mul3A_6 : i32
        %ne3A = arith.cmpi ne, %add3A_235, %add3A_271 : i32
        %ne3A_291 = arith.cmpi ne, %add3A_236, %add3A_272 : i32
        %or3A = arith.constant false
        %or3A_292 = arith.ori %or3A, %ne3A : i1
        %or3A_293 = arith.ori %or3A_292, %ne3A_291 : i1
        %or3A_294 = arith.constant false
        %or3A_295 = arith.ori %or3A_293, %or3A_294 : i1
        %ge3A = arith.constant 63 : i32
        %ge3A_296 = arith.cmpi sge, %scan3A_221, %ge3A : i32
        %not3A = arith.constant true
        %not3A_297 = arith.xori %ge3A_296, %not3A : i1
        %and3A = arith.andi %or3A_295, %not3A_297 : i1
        %convert_element_type3A = arith.extui %and3A : i1 to i32
        %cond3A = arith.constant 0 : i32
        %cond3A_298 = arith.cmpi ne, %convert_element_type3A, %cond3A : i32
        scf.if %cond3A_298 {
          "tpu.trace_start"() <{level = 10 : i32, message = "ep_copy_in"}> : () -> ()
          %rem3A_497 = arith.constant 2 : i32
          %rem3A_498 = arith.remui %scan3A_222, %rem3A_497 : i32
          %mul3A_499 = arith.constant 1 : i32
          %mul3A_500 = arith.muli %mul3A_499, %add3A_271 : i32
          %mul3A_501 = arith.constant 16 : i32
          %mul3A_502 = arith.muli %mul3A_501, %add3A_272 : i32
          %dma_start3A_503 = arith.constant 0 : i32
          %dma_start3A_504 = arith.constant 0 : i32
          %dma_start3A_505 = arith.constant 0 : i32
          %dma_start3A_506 = tpu.memref_slice %run_scoped3A[%rem3A_498, %dma_start3A_503, %dma_start3A_504, %dma_start3A_505] : memref<2x1x16x768xf32, #tpu.memory_space<vmem>> -> memref<1x1x16x768xf32, #tpu.memory_space<vmem>>
          %dma_start3A_507 = tpu.memref_squeeze %dma_start3A_506 : memref<1x1x16x768xf32, #tpu.memory_space<vmem>> -> memref<1x16x768xf32, #tpu.memory_space<vmem>>
          %dma_start3A_508 = arith.constant 0 : i32
          %dma_start3A_509 = tpu.memref_slice %arg2[%mul3A_500, %mul3A_502, %dma_start3A_508] : memref<4x8192x768xf32, #tpu.memory_space<hbm>> -> memref<1x16x768xf32, #tpu.memory_space<hbm>>
          %dma_start3A_510 = tpu.memref_slice %run_scoped3A_7[%rem3A_498] : memref<2x!tpu.dma_semaphore, #tpu.memory_space<semaphore_mem>> -> memref<1x!tpu.dma_semaphore, #tpu.memory_space<semaphore_mem>>
          %dma_start3A_511 = tpu.memref_squeeze %dma_start3A_510 : memref<1x!tpu.dma_semaphore, #tpu.memory_space<semaphore_mem>> -> memref<!tpu.dma_semaphore, #tpu.memory_space<semaphore_mem>>
          %dma_start3A_512 = arith.constant 0 : i32
          %dma_start3A_513 = arith.constant 0 : i32
          %dma_start3A_514 = arith.constant 0 : i32
          %dma_start3A_515 = tpu.memref_slice %run_scoped3A[%rem3A_498, %dma_start3A_512, %dma_start3A_513, %dma_start3A_514] : memref<2x1x16x768xf32, #tpu.memory_space<vmem>> -> memref<1x1x16x768xf32, #tpu.memory_space<vmem>>
          %dma_start3A_516 = tpu.memref_squeeze %dma_start3A_515 : memref<1x1x16x768xf32, #tpu.memory_space<vmem>> -> memref<1x16x768xf32, #tpu.memory_space<vmem>>
          %dma_start3A_517 = arith.constant 0 : i32
          %dma_start3A_518 = tpu.memref_slice %arg2[%mul3A_500, %mul3A_502, %dma_start3A_517] : memref<4x8192x768xf32, #tpu.memory_space<hbm>> -> memref<1x16x768xf32, #tpu.memory_space<hbm>>
          tpu.enqueue_dma source(%dma_start3A_518 : memref<1x16x768xf32, #tpu.memory_space<hbm>>) target(%dma_start3A_516 : memref<1x16x768xf32, #tpu.memory_space<vmem>>) target_semaphore(%dma_start3A_511 : memref<!tpu.dma_semaphore, #tpu.memory_space<semaphore_mem>>)
          "tpu.trace_stop"() : () -> ()
        } else {
        }
        %and3A_299 = arith.constant true
        %and3A_300 = arith.andi %and3A, %and3A_299 : i1
        %add3A_301 = arith.constant 1 : i32
        %add3A_302 = arith.addi %scan3A_222, %add3A_301 : i32
        %select_n3A_303 = arith.select %and3A_300, %add3A_302, %scan3A_222 : i32
        %ne3A_304 = arith.cmpi ne, %add3A_236, %add3A_272 : i32
        %or3A_305 = arith.constant false
        %or3A_306 = arith.ori %or3A_305, %ne3A_304 : i1
        %or3A_307 = arith.constant false
        %or3A_308 = arith.ori %or3A_306, %or3A_307 : i1
        %ge3A_309 = arith.constant 63 : i32
        %ge3A_310 = arith.cmpi sge, %scan3A_221, %ge3A_309 : i32
        %not3A_311 = arith.constant true
        %not3A_312 = arith.xori %ge3A_310, %not3A_311 : i1
        %and3A_313 = arith.andi %or3A_308, %not3A_312 : i1
        %convert_element_type3A_314 = arith.extui %and3A_313 : i1 to i32
        %cond3A_315 = arith.constant 0 : i32
        %cond3A_316 = arith.cmpi ne, %convert_element_type3A_314, %cond3A_315 : i32
        scf.if %cond3A_316 {
          "tpu.trace_start"() <{level = 10 : i32, message = "ep_copy_in"}> : () -> ()
          %rem3A_497 = arith.constant 2 : i32
          %rem3A_498 = arith.remui %scan3A_224, %rem3A_497 : i32
          %mul3A_499 = arith.constant 16 : i32
          %mul3A_500 = arith.muli %mul3A_499, %add3A_272 : i32
          %dma_start3A_501 = arith.constant 0 : i32
          %dma_start3A_502 = arith.constant 0 : i32
          %dma_start3A_503 = tpu.memref_slice %run_scoped3A_8[%rem3A_498, %dma_start3A_501, %dma_start3A_502] : memref<2x16x768xf32, #tpu.memory_space<vmem>> -> memref<1x16x768xf32, #tpu.memory_space<vmem>>
          %dma_start3A_504 = tpu.memref_squeeze %dma_start3A_503 : memref<1x16x768xf32, #tpu.memory_space<vmem>> -> memref<16x768xf32, #tpu.memory_space<vmem>>
          %dma_start3A_505 = arith.constant 0 : i32
          %dma_start3A_506 = tpu.memref_slice %arg3[%mul3A_500, %dma_start3A_505] : memref<8192x768xf32, #tpu.memory_space<hbm>> -> memref<16x768xf32, #tpu.memory_space<hbm>>
          %dma_start3A_507 = tpu.memref_slice %run_scoped3A_9[%rem3A_498] : memref<2x!tpu.dma_semaphore, #tpu.memory_space<semaphore_mem>> -> memref<1x!tpu.dma_semaphore, #tpu.memory_space<semaphore_mem>>
          %dma_start3A_508 = tpu.memref_squeeze %dma_start3A_507 : memref<1x!tpu.dma_semaphore, #tpu.memory_space<semaphore_mem>> -> memref<!tpu.dma_semaphore, #tpu.memory_space<semaphore_mem>>
          %dma_start3A_509 = arith.constant 0 : i32
          %dma_start3A_510 = arith.constant 0 : i32
          %dma_start3A_511 = tpu.memref_slice %run_scoped3A_8[%rem3A_498, %dma_start3A_509, %dma_start3A_510] : memref<2x16x768xf32, #tpu.memory_space<vmem>> -> memref<1x16x768xf32, #tpu.memory_space<vmem>>
          %dma_start3A_512 = tpu.memref_squeeze %dma_start3A_511 : memref<1x16x768xf32, #tpu.memory_space<vmem>> -> memref<16x768xf32, #tpu.memory_space<vmem>>
          %dma_start3A_513 = arith.constant 0 : i32
          %dma_start3A_514 = tpu.memref_slice %arg3[%mul3A_500, %dma_start3A_513] : memref<8192x768xf32, #tpu.memory_space<hbm>> -> memref<16x768xf32, #tpu.memory_space<hbm>>
          tpu.enqueue_dma source(%dma_start3A_514 : memref<16x768xf32, #tpu.memory_space<hbm>>) target(%dma_start3A_512 : memref<16x768xf32, #tpu.memory_space<vmem>>) target_semaphore(%dma_start3A_508 : memref<!tpu.dma_semaphore, #tpu.memory_space<semaphore_mem>>)
          "tpu.trace_stop"() : () -> ()
        } else {
        }
        %and3A_317 = arith.constant true
        %and3A_318 = arith.andi %and3A_313, %and3A_317 : i1
        %add3A_319 = arith.constant 1 : i32
        %add3A_320 = arith.addi %scan3A_224, %add3A_319 : i32
        %select_n3A_321 = arith.select %and3A_318, %add3A_320, %scan3A_224 : i32
        %ne3A_322 = arith.cmpi ne, %add3A_235, %add3A_271 : i32
        %ne3A_323 = arith.cmpi ne, %add3A_236, %add3A_272 : i32
        %or3A_324 = arith.constant false
        %or3A_325 = arith.ori %or3A_324, %ne3A_322 : i1
        %or3A_326 = arith.ori %or3A_325, %ne3A_323 : i1
        %or3A_327 = arith.constant false
        %or3A_328 = arith.ori %or3A_326, %or3A_327 : i1
        %ge3A_329 = arith.constant 63 : i32
        %ge3A_330 = arith.cmpi sge, %scan3A_221, %ge3A_329 : i32
        %not3A_331 = arith.constant true
        %not3A_332 = arith.xori %ge3A_330, %not3A_331 : i1
        %and3A_333 = arith.andi %or3A_328, %not3A_332 : i1
        %ne3A_334 = arith.cmpi ne, %add3A_235, %add3A_253 : i32
        %ne3A_335 = arith.cmpi ne, %add3A_236, %add3A_254 : i32
        %or3A_336 = arith.constant false
        %or3A_337 = arith.ori %or3A_336, %ne3A_334 : i1
        %or3A_338 = arith.ori %or3A_337, %ne3A_335 : i1
        %or3A_339 = arith.constant false
        %or3A_340 = arith.ori %or3A_338, %or3A_339 : i1
        %or3A_341 = arith.ori %or3A_340, %eq3A_231 : i1
        %convert_element_type3A_342 = arith.extui %or3A_341 : i1 to i32
        %cond3A_343 = arith.constant 0 : i32
        %cond3A_344 = arith.cmpi ne, %convert_element_type3A_342, %cond3A_343 : i32
        scf.if %cond3A_344 {
          "tpu.trace_start"() <{level = 10 : i32, message = "ep_wait_in"}> : () -> ()
          %mul3A_497 = arith.constant 1 : i32
          %mul3A_498 = arith.muli %mul3A_497, %add3A_235 : i32
          %mul3A_499 = arith.constant 16 : i32
          %mul3A_500 = arith.muli %mul3A_499, %add3A_236 : i32
          %rem3A_501 = arith.constant 2 : i32
          %rem3A_502 = arith.remui %scan3A_223, %rem3A_501 : i32
          %dma_wait3A_503 = arith.constant 0 : i32
          %dma_wait3A_504 = arith.constant 0 : i32
          %dma_wait3A_505 = arith.constant 0 : i32
          %dma_wait3A_506 = tpu.memref_slice %run_scoped3A[%rem3A_502, %dma_wait3A_503, %dma_wait3A_504, %dma_wait3A_505] : memref<2x1x16x768xf32, #tpu.memory_space<vmem>> -> memref<1x1x16x768xf32, #tpu.memory_space<vmem>>
          %dma_wait3A_507 = tpu.memref_squeeze %dma_wait3A_506 : memref<1x1x16x768xf32, #tpu.memory_space<vmem>> -> memref<1x16x768xf32, #tpu.memory_space<vmem>>
          %dma_wait3A_508 = arith.constant 0 : i32
          %dma_wait3A_509 = tpu.memref_slice %arg2[%mul3A_498, %mul3A_500, %dma_wait3A_508] : memref<4x8192x768xf32, #tpu.memory_space<hbm>> -> memref<1x16x768xf32, #tpu.memory_space<hbm>>
          %dma_wait3A_510 = tpu.memref_slice %run_scoped3A_7[%rem3A_502] : memref<2x!tpu.dma_semaphore, #tpu.memory_space<semaphore_mem>> -> memref<1x!tpu.dma_semaphore, #tpu.memory_space<semaphore_mem>>
          %dma_wait3A_511 = tpu.memref_squeeze %dma_wait3A_510 : memref<1x!tpu.dma_semaphore, #tpu.memory_space<semaphore_mem>> -> memref<!tpu.dma_semaphore, #tpu.memory_space<semaphore_mem>>
          %dma_wait3A_512 = arith.constant 0 : i32
          %dma_wait3A_513 = arith.constant 0 : i32
          %dma_wait3A_514 = arith.constant 0 : i32
          %dma_wait3A_515 = tpu.memref_slice %run_scoped3A[%rem3A_502, %dma_wait3A_512, %dma_wait3A_513, %dma_wait3A_514] : memref<2x1x16x768xf32, #tpu.memory_space<vmem>> -> memref<1x1x16x768xf32, #tpu.memory_space<vmem>>
          %dma_wait3A_516 = tpu.memref_squeeze %dma_wait3A_515 : memref<1x1x16x768xf32, #tpu.memory_space<vmem>> -> memref<1x16x768xf32, #tpu.memory_space<vmem>>
          %dma_wait3A_517 = arith.constant 0 : i32
          %dma_wait3A_518 = tpu.memref_slice %arg2[%mul3A_498, %mul3A_500, %dma_wait3A_517] : memref<4x8192x768xf32, #tpu.memory_space<hbm>> -> memref<1x16x768xf32, #tpu.memory_space<hbm>>
          tpu.wait_dma2 semaphore(%dma_wait3A_511 : memref<!tpu.dma_semaphore, #tpu.memory_space<semaphore_mem>>) src(%dma_wait3A_518 : memref<1x16x768xf32, #tpu.memory_space<hbm>>) dst(%dma_wait3A_516 : memref<1x16x768xf32, #tpu.memory_space<vmem>>)
          "tpu.trace_stop"() : () -> ()
        } else {
        }
        %ne3A_345 = arith.cmpi ne, %add3A_236, %add3A_254 : i32
        %or3A_346 = arith.constant false
        %or3A_347 = arith.ori %or3A_346, %ne3A_345 : i1
        %or3A_348 = arith.constant false
        %or3A_349 = arith.ori %or3A_347, %or3A_348 : i1
        %or3A_350 = arith.ori %or3A_349, %eq3A_231 : i1
        %convert_element_type3A_351 = arith.extui %or3A_350 : i1 to i32
        %cond3A_352 = arith.constant 0 : i32
        %cond3A_353 = arith.cmpi ne, %convert_element_type3A_351, %cond3A_352 : i32
        scf.if %cond3A_353 {
          "tpu.trace_start"() <{level = 10 : i32, message = "ep_wait_in"}> : () -> ()
          %mul3A_497 = arith.constant 16 : i32
          %mul3A_498 = arith.muli %mul3A_497, %add3A_236 : i32
          %rem3A_499 = arith.constant 2 : i32
          %rem3A_500 = arith.remui %scan3A_225, %rem3A_499 : i32
          %dma_wait3A_501 = arith.constant 0 : i32
          %dma_wait3A_502 = arith.constant 0 : i32
          %dma_wait3A_503 = tpu.memref_slice %run_scoped3A_8[%rem3A_500, %dma_wait3A_501, %dma_wait3A_502] : memref<2x16x768xf32, #tpu.memory_space<vmem>> -> memref<1x16x768xf32, #tpu.memory_space<vmem>>
          %dma_wait3A_504 = tpu.memref_squeeze %dma_wait3A_503 : memref<1x16x768xf32, #tpu.memory_space<vmem>> -> memref<16x768xf32, #tpu.memory_space<vmem>>
          %dma_wait3A_505 = arith.constant 0 : i32
          %dma_wait3A_506 = tpu.memref_slice %arg3[%mul3A_498, %dma_wait3A_505] : memref<8192x768xf32, #tpu.memory_space<hbm>> -> memref<16x768xf32, #tpu.memory_space<hbm>>
          %dma_wait3A_507 = tpu.memref_slice %run_scoped3A_9[%rem3A_500] : memref<2x!tpu.dma_semaphore, #tpu.memory_space<semaphore_mem>> -> memref<1x!tpu.dma_semaphore, #tpu.memory_space<semaphore_mem>>
          %dma_wait3A_508 = tpu.memref_squeeze %dma_wait3A_507 : memref<1x!tpu.dma_semaphore, #tpu.memory_space<semaphore_mem>> -> memref<!tpu.dma_semaphore, #tpu.memory_space<semaphore_mem>>
          %dma_wait3A_509 = arith.constant 0 : i32
          %dma_wait3A_510 = arith.constant 0 : i32
          %dma_wait3A_511 = tpu.memref_slice %run_scoped3A_8[%rem3A_500, %dma_wait3A_509, %dma_wait3A_510] : memref<2x16x768xf32, #tpu.memory_space<vmem>> -> memref<1x16x768xf32, #tpu.memory_space<vmem>>
          %dma_wait3A_512 = tpu.memref_squeeze %dma_wait3A_511 : memref<1x16x768xf32, #tpu.memory_space<vmem>> -> memref<16x768xf32, #tpu.memory_space<vmem>>
          %dma_wait3A_513 = arith.constant 0 : i32
          %dma_wait3A_514 = tpu.memref_slice %arg3[%mul3A_498, %dma_wait3A_513] : memref<8192x768xf32, #tpu.memory_space<hbm>> -> memref<16x768xf32, #tpu.memory_space<hbm>>
          tpu.wait_dma2 semaphore(%dma_wait3A_508 : memref<!tpu.dma_semaphore, #tpu.memory_space<semaphore_mem>>) src(%dma_wait3A_514 : memref<16x768xf32, #tpu.memory_space<hbm>>) dst(%dma_wait3A_512 : memref<16x768xf32, #tpu.memory_space<vmem>>)
          "tpu.trace_stop"() : () -> ()
        } else {
        }
        %ne3A_354 = arith.cmpi ne, %add3A_235, %add3A_253 : i32
        %ne3A_355 = arith.cmpi ne, %add3A_236, %add3A_254 : i32
        %or3A_356 = arith.constant false
        %or3A_357 = arith.ori %or3A_356, %ne3A_354 : i1
        %or3A_358 = arith.ori %or3A_357, %ne3A_355 : i1
        %or3A_359 = arith.constant false
        %or3A_360 = arith.ori %or3A_358, %or3A_359 : i1
        %or3A_361 = arith.ori %or3A_360, %eq3A_231 : i1
        %convert_element_type3A_362 = arith.extui %or3A_361 : i1 to i32
        %cond3A_363 = arith.constant 0 : i32
        %cond3A_364 = arith.cmpi ne, %convert_element_type3A_362, %cond3A_363 : i32
        scf.if %cond3A_364 {
        } else {
        }
        %rem3A_365 = arith.constant 2 : i32
        %rem3A_366 = arith.remui %scan3A_223, %rem3A_365 : i32
        %rem3A_367 = arith.constant 2 : i32
        %rem3A_368 = arith.remui %scan3A_225, %rem3A_367 : i32
        %rem3A_369 = arith.constant 2 : i32
        %rem3A_370 = arith.remui %scan3A_226, %rem3A_369 : i32
        "tpu.trace_start"() <{level = 10 : i32, message = "ep_run_kernel"}> : () -> ()
        %scan3A_371 = arith.constant 0 : i32
        %scan3A_372 = arith.constant 16 : i32
        %scan3A_373 = arith.addi %scan3A_371, %scan3A_372 : i32
        %scan3A_374 = arith.constant 1 : i32
        scf.for %scan3A_497 = %scan3A_371 to %scan3A_373 step %scan3A_374  : i32 {
          %mul3A_498 = arith.constant 1 : i32
          %mul3A_499 = arith.muli %scan3A_497, %mul3A_498 : i32
          %add3A_500 = arith.constant 0 : i32
          %add3A_501 = arith.addi %add3A_500, %mul3A_499 : i32
          %scan3A_502 = arith.constant 0 : i32
          %scan3A_503 = arith.constant 48 : i32
          %scan3A_504 = arith.addi %scan3A_502, %scan3A_503 : i32
          %scan3A_505 = arith.constant 1 : i32
          scf.for %scan3A_507 = %scan3A_502 to %scan3A_504 step %scan3A_505  : i32 {
            %mul3A_508 = arith.constant 16 : i32
            %mul3A_509 = arith.muli %scan3A_507, %mul3A_508 : i32
            %add3A_510 = arith.constant 0 : i32
            %add3A_511 = arith.addi %add3A_510, %mul3A_509 : i32
            %get3A = arith.constant 0 : i32
            %get3A_512 = arith.constant 0 : i32
            %get3A_513 = arith.constant 0 : i32
            %get3A_514 = arith.constant 0 : i32
            %get3A_515 = tpu.memref_slice %run_scoped3A[%rem3A_366, %get3A_512, %get3A_513, %get3A_514] : memref<2x1x16x768xf32, #tpu.memory_space<vmem>> -> memref<1x1x16x768xf32, #tpu.memory_space<vmem>>
            %get3A_516 = tpu.memref_squeeze %get3A_515 : memref<1x1x16x768xf32, #tpu.memory_space<vmem>> -> memref<1x16x768xf32, #tpu.memory_space<vmem>>
            %get3A_517 = arith.index_cast %get3A : i32 to index
            %get3A_518 = arith.index_cast %add3A_501 : i32 to index
            %get3A_519 = arith.index_cast %add3A_511 : i32 to index
            %get3A_520 = tpu.vector_load %get3A_516[%get3A_517, %get3A_518, %get3A_519] {strides = array<i32>} : memref<1x16x768xf32, #tpu.memory_space<vmem>>, vector<1x1x16xf32>,
            %get3A_521 = vector.shape_cast %get3A_520 : vector<1x1x16xf32> to vector<16xf32>
            %get3A_522 = arith.constant 0 : i32
            %get3A_523 = arith.constant 0 : i32
            %get3A_524 = tpu.memref_slice %run_scoped3A_8[%rem3A_368, %get3A_522, %get3A_523] : memref<2x16x768xf32, #tpu.memory_space<vmem>> -> memref<1x16x768xf32, #tpu.memory_space<vmem>>
            %get3A_525 = tpu.memref_squeeze %get3A_524 : memref<1x16x768xf32, #tpu.memory_space<vmem>> -> memref<16x768xf32, #tpu.memory_space<vmem>>
            %get3A_526 = arith.index_cast %add3A_501 : i32 to index
            %get3A_527 = arith.index_cast %add3A_511 : i32 to index
            %get3A_528 = tpu.vector_load %get3A_525[%get3A_526, %get3A_527] {strides = array<i32>} : memref<16x768xf32, #tpu.memory_space<vmem>>, vector<1x16xf32>,
            %get3A_529 = vector.shape_cast %get3A_528 : vector<1x16xf32> to vector<16xf32>
            %add3A_530 = arith.addf %get3A_521, %get3A_529 : vector<16xf32>
            %swap3A = arith.constant 0 : i32
            %swap3A_531 = arith.constant 0 : i32
            %swap3A_532 = arith.constant 0 : i32
            %swap3A_533 = arith.constant 0 : i32
            %swap3A_534 = tpu.memref_slice %run_scoped3A_10[%rem3A_370, %swap3A_531, %swap3A_532, %swap3A_533] : memref<2x1x16x768xf32, #tpu.memory_space<vmem>> -> memref<1x1x16x768xf32, #tpu.memory_space<vmem>>
            %swap3A_535 = tpu.memref_squeeze %swap3A_534 : memref<1x1x16x768xf32, #tpu.memory_space<vmem>> -> memref<1x16x768xf32, #tpu.memory_space<vmem>>
            %swap3A_536 = arith.index_cast %swap3A : i32 to index
            %swap3A_537 = arith.index_cast %add3A_501 : i32 to index
            %swap3A_538 = arith.index_cast %add3A_511 : i32 to index
            %swap3A_539 = tpu.vector_load %swap3A_535[%swap3A_536, %swap3A_537, %swap3A_538] {strides = array<i32>} : memref<1x16x768xf32, #tpu.memory_space<vmem>>, vector<1x1x16xf32>,
            %swap3A_540 = vector.shape_cast %swap3A_539 : vector<1x1x16xf32> to vector<16xf32>
            %swap3A_541 = vector.shape_cast %add3A_530 : vector<16xf32> to vector<1x1x16xf32>
            tpu.vector_store %swap3A_535[%swap3A_536, %swap3A_537, %swap3A_538], %swap3A_541 {strides = array<i32>} : memref<1x16x768xf32, #tpu.memory_space<vmem>>, vector<1x1x16xf32>,
          }
          %scan3A_506 = arith.constant 48 : i32
        }
        %scan3A_375 = arith.constant 16 : i32
        "tpu.trace_stop"() : () -> ()
        %ne3A_376 = arith.cmpi ne, %add3A_235, %add3A_271 : i32
        %ne3A_377 = arith.cmpi ne, %add3A_236, %add3A_272 : i32
        %or3A_378 = arith.constant false
        %or3A_379 = arith.ori %or3A_378, %ne3A_376 : i1
        %or3A_380 = arith.ori %or3A_379, %ne3A_377 : i1
        %or3A_381 = arith.constant false
        %or3A_382 = arith.ori %or3A_380, %or3A_381 : i1
        %or3A_383 = arith.ori %or3A_382, %eq3A_233 : i1
        %convert_element_type3A_384 = arith.extui %or3A_383 : i1 to i32
        %cond3A_385 = arith.constant 0 : i32
        %cond3A_386 = arith.cmpi ne, %convert_element_type3A_384, %cond3A_385 : i32
        scf.if %cond3A_386 {
        } else {
        }
        %and3A_387 = arith.constant false
        %and3A_388 = arith.andi %or3A_383, %and3A_387 : i1
        %ne3A_389 = arith.cmpi ne, %add3A_236, %add3A_272 : i32
        %or3A_390 = arith.constant false
        %or3A_391 = arith.ori %or3A_390, %ne3A_389 : i1
        %or3A_392 = arith.constant false
        %or3A_393 = arith.ori %or3A_391, %or3A_392 : i1
        %or3A_394 = arith.ori %or3A_393, %eq3A_233 : i1
        %convert_element_type3A_395 = arith.extui %or3A_394 : i1 to i32
        %cond3A_396 = arith.constant 0 : i32
        %cond3A_397 = arith.cmpi ne, %convert_element_type3A_395, %cond3A_396 : i32
        scf.if %cond3A_397 {
        } else {
        }
        %and3A_398 = arith.constant false
        %and3A_399 = arith.andi %or3A_394, %and3A_398 : i1
        %ne3A_400 = arith.cmpi ne, %add3A_235, %add3A_271 : i32
        %ne3A_401 = arith.cmpi ne, %add3A_236, %add3A_272 : i32
        %or3A_402 = arith.constant false
        %or3A_403 = arith.ori %or3A_402, %ne3A_400 : i1
        %or3A_404 = arith.ori %or3A_403, %ne3A_401 : i1
        %or3A_405 = arith.constant false
        %or3A_406 = arith.ori %or3A_404, %or3A_405 : i1
        %or3A_407 = arith.ori %or3A_406, %eq3A_233 : i1
        %convert_element_type3A_408 = arith.extui %or3A_407 : i1 to i32
        %cond3A_409 = arith.constant 0 : i32
        %cond3A_410 = arith.cmpi ne, %convert_element_type3A_408, %cond3A_409 : i32
        scf.if %cond3A_410 {
          "tpu.trace_start"() <{level = 10 : i32, message = "ep_copy_out"}> : () -> ()
          %rem3A_497 = arith.constant 2 : i32
          %rem3A_498 = arith.remui %scan3A_226, %rem3A_497 : i32
          %mul3A_499 = arith.constant 1 : i32
          %mul3A_500 = arith.muli %mul3A_499, %add3A_235 : i32
          %mul3A_501 = arith.constant 16 : i32
          %mul3A_502 = arith.muli %mul3A_501, %add3A_236 : i32
          %dma_start3A_503 = arith.constant 0 : i32
          %dma_start3A_504 = arith.constant 0 : i32
          %dma_start3A_505 = arith.constant 0 : i32
          %dma_start3A_506 = tpu.memref_slice %run_scoped3A_10[%rem3A_498, %dma_start3A_503, %dma_start3A_504, %dma_start3A_505] : memref<2x1x16x768xf32, #tpu.memory_space<vmem>> -> memref<1x1x16x768xf32, #tpu.memory_space<vmem>>
          %dma_start3A_507 = tpu.memref_squeeze %dma_start3A_506 : memref<1x1x16x768xf32, #tpu.memory_space<vmem>> -> memref<1x16x768xf32, #tpu.memory_space<vmem>>
          %dma_start3A_508 = arith.constant 0 : i32
          %dma_start3A_509 = tpu.memref_slice %arg4[%mul3A_500, %mul3A_502, %dma_start3A_508] : memref<4x8192x768xf32, #tpu.memory_space<hbm>> -> memref<1x16x768xf32, #tpu.memory_space<hbm>>
          %dma_start3A_510 = tpu.memref_slice %run_scoped3A_11[%rem3A_498] : memref<2x!tpu.dma_semaphore, #tpu.memory_space<semaphore_mem>> -> memref<1x!tpu.dma_semaphore, #tpu.memory_space<semaphore_mem>>
          %dma_start3A_511 = tpu.memref_squeeze %dma_start3A_510 : memref<1x!tpu.dma_semaphore, #tpu.memory_space<semaphore_mem>> -> memref<!tpu.dma_semaphore, #tpu.memory_space<semaphore_mem>>
          %dma_start3A_512 = arith.constant 0 : i32
          %dma_start3A_513 = tpu.memref_slice %arg4[%mul3A_500, %mul3A_502, %dma_start3A_512] : memref<4x8192x768xf32, #tpu.memory_space<hbm>> -> memref<1x16x768xf32, #tpu.memory_space<hbm>>
          %dma_start3A_514 = arith.constant 0 : i32
          %dma_start3A_515 = arith.constant 0 : i32
          %dma_start3A_516 = arith.constant 0 : i32
          %dma_start3A_517 = tpu.memref_slice %run_scoped3A_10[%rem3A_498, %dma_start3A_514, %dma_start3A_515, %dma_start3A_516] : memref<2x1x16x768xf32, #tpu.memory_space<vmem>> -> memref<1x1x16x768xf32, #tpu.memory_space<vmem>>
          %dma_start3A_518 = tpu.memref_squeeze %dma_start3A_517 : memref<1x1x16x768xf32, #tpu.memory_space<vmem>> -> memref<1x16x768xf32, #tpu.memory_space<vmem>>
          tpu.enqueue_dma source(%dma_start3A_518 : memref<1x16x768xf32, #tpu.memory_space<vmem>>) target(%dma_start3A_513 : memref<1x16x768xf32, #tpu.memory_space<hbm>>) target_semaphore(%dma_start3A_511 : memref<!tpu.dma_semaphore, #tpu.memory_space<semaphore_mem>>)
          "tpu.trace_stop"() : () -> ()
        } else {
        }
        %and3A_411 = arith.constant true
        %and3A_412 = arith.andi %or3A_407, %and3A_411 : i1
        %add3A_413 = arith.constant 1 : i32
        %add3A_414 = arith.addi %scan3A_226, %add3A_413 : i32
        %select_n3A_415 = arith.select %and3A_412, %add3A_414, %scan3A_226 : i32
        %ne3A_416 = arith.cmpi ne, %add3A_235, %add3A_253 : i32
        %ne3A_417 = arith.cmpi ne, %add3A_236, %add3A_254 : i32
        %or3A_418 = arith.constant false
        %or3A_419 = arith.ori %or3A_418, %ne3A_416 : i1
        %or3A_420 = arith.ori %or3A_419, %ne3A_417 : i1
        %or3A_421 = arith.constant false
        %or3A_422 = arith.ori %or3A_420, %or3A_421 : i1
        %not3A_423 = arith.constant true
        %not3A_424 = arith.xori %eq3A_231, %not3A_423 : i1
        %and3A_425 = arith.andi %or3A_422, %not3A_424 : i1
        %convert_element_type3A_426 = arith.extui %and3A_425 : i1 to i32
        %cond3A_427 = arith.constant 0 : i32
        %cond3A_428 = arith.cmpi ne, %convert_element_type3A_426, %cond3A_427 : i32
        scf.if %cond3A_428 {
        } else {
        }
        %and3A_429 = arith.constant false
        %and3A_430 = arith.andi %and3A_425, %and3A_429 : i1
        %ne3A_431 = arith.cmpi ne, %add3A_236, %add3A_254 : i32
        %or3A_432 = arith.constant false
        %or3A_433 = arith.ori %or3A_432, %ne3A_431 : i1
        %or3A_434 = arith.constant false
        %or3A_435 = arith.ori %or3A_433, %or3A_434 : i1
        %not3A_436 = arith.constant true
        %not3A_437 = arith.xori %eq3A_231, %not3A_436 : i1
        %and3A_438 = arith.andi %or3A_435, %not3A_437 : i1
        %convert_element_type3A_439 = arith.extui %and3A_438 : i1 to i32
        %cond3A_440 = arith.constant 0 : i32
        %cond3A_441 = arith.cmpi ne, %convert_element_type3A_439, %cond3A_440 : i32
        scf.if %cond3A_441 {
        } else {
        }
        %and3A_442 = arith.constant false
        %and3A_443 = arith.andi %and3A_438, %and3A_442 : i1
        %ne3A_444 = arith.cmpi ne, %add3A_235, %add3A_253 : i32
        %ne3A_445 = arith.cmpi ne, %add3A_236, %add3A_254 : i32
        %or3A_446 = arith.constant false
        %or3A_447 = arith.ori %or3A_446, %ne3A_444 : i1
        %or3A_448 = arith.ori %or3A_447, %ne3A_445 : i1
        %or3A_449 = arith.constant false
        %or3A_450 = arith.ori %or3A_448, %or3A_449 : i1
        %not3A_451 = arith.constant true
        %not3A_452 = arith.xori %eq3A_231, %not3A_451 : i1
        %and3A_453 = arith.andi %or3A_450, %not3A_452 : i1
        %convert_element_type3A_454 = arith.extui %and3A_453 : i1 to i32
        %cond3A_455 = arith.constant 0 : i32
        %cond3A_456 = arith.cmpi ne, %convert_element_type3A_454, %cond3A_455 : i32
        scf.if %cond3A_456 {
          "tpu.trace_start"() <{level = 10 : i32, message = "ep_wait_out"}> : () -> ()
          %rem3A_497 = arith.constant 2 : i32
          %rem3A_498 = arith.remui %scan3A_227, %rem3A_497 : i32
          %mul3A_499 = arith.constant 1 : i32
          %mul3A_500 = arith.muli %mul3A_499, %add3A_253 : i32
          %mul3A_501 = arith.constant 16 : i32
          %mul3A_502 = arith.muli %mul3A_501, %add3A_254 : i32
          %dma_wait3A_503 = arith.constant 0 : i32
          %dma_wait3A_504 = arith.constant 0 : i32
          %dma_wait3A_505 = arith.constant 0 : i32
          %dma_wait3A_506 = tpu.memref_slice %run_scoped3A_10[%rem3A_498, %dma_wait3A_503, %dma_wait3A_504, %dma_wait3A_505] : memref<2x1x16x768xf32, #tpu.memory_space<vmem>> -> memref<1x1x16x768xf32, #tpu.memory_space<vmem>>
          %dma_wait3A_507 = tpu.memref_squeeze %dma_wait3A_506 : memref<1x1x16x768xf32, #tpu.memory_space<vmem>> -> memref<1x16x768xf32, #tpu.memory_space<vmem>>
          %dma_wait3A_508 = arith.constant 0 : i32
          %dma_wait3A_509 = tpu.memref_slice %arg4[%mul3A_500, %mul3A_502, %dma_wait3A_508] : memref<4x8192x768xf32, #tpu.memory_space<hbm>> -> memref<1x16x768xf32, #tpu.memory_space<hbm>>
          %dma_wait3A_510 = tpu.memref_slice %run_scoped3A_11[%rem3A_498] : memref<2x!tpu.dma_semaphore, #tpu.memory_space<semaphore_mem>> -> memref<1x!tpu.dma_semaphore, #tpu.memory_space<semaphore_mem>>
          %dma_wait3A_511 = tpu.memref_squeeze %dma_wait3A_510 : memref<1x!tpu.dma_semaphore, #tpu.memory_space<semaphore_mem>> -> memref<!tpu.dma_semaphore, #tpu.memory_space<semaphore_mem>>
          %dma_wait3A_512 = arith.constant 0 : i32
          %dma_wait3A_513 = tpu.memref_slice %arg4[%mul3A_500, %mul3A_502, %dma_wait3A_512] : memref<4x8192x768xf32, #tpu.memory_space<hbm>> -> memref<1x16x768xf32, #tpu.memory_space<hbm>>
          %dma_wait3A_514 = arith.constant 0 : i32
          %dma_wait3A_515 = arith.constant 0 : i32
          %dma_wait3A_516 = arith.constant 0 : i32
          %dma_wait3A_517 = tpu.memref_slice %run_scoped3A_10[%rem3A_498, %dma_wait3A_514, %dma_wait3A_515, %dma_wait3A_516] : memref<2x1x16x768xf32, #tpu.memory_space<vmem>> -> memref<1x1x16x768xf32, #tpu.memory_space<vmem>>
          %dma_wait3A_518 = tpu.memref_squeeze %dma_wait3A_517 : memref<1x1x16x768xf32, #tpu.memory_space<vmem>> -> memref<1x16x768xf32, #tpu.memory_space<vmem>>
          tpu.wait_dma2 semaphore(%dma_wait3A_511 : memref<!tpu.dma_semaphore, #tpu.memory_space<semaphore_mem>>) src(%dma_wait3A_518 : memref<1x16x768xf32, #tpu.memory_space<vmem>>) dst(%dma_wait3A_513 : memref<1x16x768xf32, #tpu.memory_space<hbm>>)
          "tpu.trace_stop"() : () -> ()
        } else {
        }
        %and3A_457 = arith.constant true
        %and3A_458 = arith.andi %and3A_453, %and3A_457 : i1
        %add3A_459 = arith.constant 1 : i32
        %add3A_460 = arith.addi %scan3A_227, %add3A_459 : i32
        %select_n3A_461 = arith.select %and3A_458, %add3A_460, %scan3A_227 : i32
        %ne3A_462 = arith.cmpi ne, %add3A_235, %add3A_271 : i32
        %ne3A_463 = arith.cmpi ne, %add3A_236, %add3A_272 : i32
        %or3A_464 = arith.constant false
        %or3A_465 = arith.ori %or3A_464, %ne3A_462 : i1
        %or3A_466 = arith.ori %or3A_465, %ne3A_463 : i1
        %or3A_467 = arith.constant false
        %or3A_468 = arith.ori %or3A_466, %or3A_467 : i1
        %or3A_469 = arith.ori %or3A_468, %eq3A_233 : i1
        %add3A_470 = arith.constant 1 : i32
        %add3A_471 = arith.addi %scan3A_223, %add3A_470 : i32
        %select_n3A_472 = arith.select %or3A_469, %add3A_471, %scan3A_223 : i32
        %ne3A_473 = arith.cmpi ne, %add3A_236, %add3A_272 : i32
        %or3A_474 = arith.constant false
        %or3A_475 = arith.ori %or3A_474, %ne3A_473 : i1
        %or3A_476 = arith.constant false
        %or3A_477 = arith.ori %or3A_475, %or3A_476 : i1
        %or3A_478 = arith.ori %or3A_477, %eq3A_233 : i1
        %add3A_479 = arith.constant 1 : i32
        %add3A_480 = arith.addi %scan3A_225, %add3A_479 : i32
        %select_n3A_481 = arith.select %or3A_478, %add3A_480, %scan3A_225 : i32
        %add3A_482 = arith.constant 1 : i32
        %add3A_483 = arith.addi %scan3A_229, %add3A_482 : i32
        %select_n3A_484 = arith.constant true
        %select_n3A_485 = arith.select %select_n3A_484, %add3A_483, %scan3A_229 : i32
        %eq3A_486 = arith.constant 16 : i32
        %eq3A_487 = arith.cmpi eq, %select_n3A_485, %eq3A_486 : i32
        %select_n3A_488 = arith.constant 0 : i32
        %select_n3A_489 = arith.select %eq3A_487, %select_n3A_488, %select_n3A_485 : i32
        %add3A_490 = arith.constant 1 : i32
        %add3A_491 = arith.addi %scan3A_228, %add3A_490 : i32
        %select_n3A_492 = arith.select %eq3A_487, %add3A_491, %scan3A_228 : i32
        %eq3A_493 = arith.constant 4 : i32
        %eq3A_494 = arith.cmpi eq, %select_n3A_492, %eq3A_493 : i32
        %select_n3A_495 = arith.constant 0 : i32
        %select_n3A_496 = arith.select %eq3A_494, %select_n3A_495, %select_n3A_492 : i32
        scf.yield %select_n3A_303, %select_n3A_472, %select_n3A_321, %select_n3A_481, %select_n3A_415, %select_n3A_461, %select_n3A_496, %select_n3A_489 : i32, i32, i32, i32, i32, i32, i32, i32
      }
      %scan3A_128 = arith.constant 64 : i32
      %sub3A = arith.constant 1 : i32
      %sub3A_129 = arith.subi %scan3A_127#7, %sub3A : i32
      %select_n3A_130 = arith.constant true
      %select_n3A_131 = arith.select %select_n3A_130, %sub3A_129, %scan3A_127#7 : i32
      %eq3A_132 = arith.constant -1 : i32
      %eq3A_133 = arith.cmpi eq, %select_n3A_131, %eq3A_132 : i32
      %select_n3A_134 = arith.constant 15 : i32
      %select_n3A_135 = arith.select %eq3A_133, %select_n3A_134, %select_n3A_131 : i32
      %sub3A_136 = arith.constant 1 : i32
      %sub3A_137 = arith.subi %scan3A_127#6, %sub3A_136 : i32
      %select_n3A_138 = arith.select %eq3A_133, %sub3A_137, %scan3A_127#6 : i32
      %eq3A_139 = arith.constant -1 : i32
      %eq3A_140 = arith.cmpi eq, %select_n3A_138, %eq3A_139 : i32
      %select_n3A_141 = arith.constant 3 : i32
      %select_n3A_142 = arith.select %eq3A_140, %select_n3A_141, %select_n3A_138 : i32
      %add3A_143 = arith.constant 0 : i32
      %add3A_144 = arith.addi %select_n3A_142, %add3A_143 : i32
      %add3A_145 = arith.addi %select_n3A_135, %mul3A_6 : i32
      %sub3A_146 = arith.constant 1 : i32
      %sub3A_147 = arith.subi %select_n3A_135, %sub3A_146 : i32
      %select_n3A_148 = arith.constant true
      %select_n3A_149 = arith.select %select_n3A_148, %sub3A_147, %select_n3A_135 : i32
      %eq3A_150 = arith.constant -1 : i32
      %eq3A_151 = arith.cmpi eq, %select_n3A_149, %eq3A_150 : i32
      %select_n3A_152 = arith.constant 15 : i32
      %select_n3A_153 = arith.select %eq3A_151, %select_n3A_152, %select_n3A_149 : i32
      %sub3A_154 = arith.constant 1 : i32
      %sub3A_155 = arith.subi %select_n3A_142, %sub3A_154 : i32
      %select_n3A_156 = arith.select %eq3A_151, %sub3A_155, %select_n3A_142 : i32
      %eq3A_157 = arith.constant -1 : i32
      %eq3A_158 = arith.cmpi eq, %select_n3A_156, %eq3A_157 : i32
      %select_n3A_159 = arith.constant 3 : i32
      %select_n3A_160 = arith.select %eq3A_158, %select_n3A_159, %select_n3A_156 : i32
      %add3A_161 = arith.constant 0 : i32
      %add3A_162 = arith.addi %select_n3A_160, %add3A_161 : i32
      %add3A_163 = arith.addi %select_n3A_153, %mul3A_6 : i32
      %add3A_164 = arith.constant 1 : i32
      %add3A_165 = arith.addi %select_n3A_135, %add3A_164 : i32
      %select_n3A_166 = arith.constant true
      %select_n3A_167 = arith.select %select_n3A_166, %add3A_165, %select_n3A_135 : i32
      %eq3A_168 = arith.constant 16 : i32
      %eq3A_169 = arith.cmpi eq, %select_n3A_167, %eq3A_168 : i32
      %select_n3A_170 = arith.constant 0 : i32
      %select_n3A_171 = arith.select %eq3A_169, %select_n3A_170, %select_n3A_167 : i32
      %add3A_172 = arith.constant 1 : i32
      %add3A_173 = arith.addi %select_n3A_142, %add3A_172 : i32
      %select_n3A_174 = arith.select %eq3A_169, %add3A_173, %select_n3A_142 : i32
      %eq3A_175 = arith.constant 4 : i32
      %eq3A_176 = arith.cmpi eq, %select_n3A_174, %eq3A_175 : i32
      %select_n3A_177 = arith.constant 0 : i32
      %select_n3A_178 = arith.select %eq3A_176, %select_n3A_177, %select_n3A_174 : i32
      %add3A_179 = arith.constant 0 : i32
      %add3A_180 = arith.addi %select_n3A_178, %add3A_179 : i32
      %add3A_181 = arith.addi %select_n3A_171, %mul3A_6 : i32
      %add3A_182 = arith.constant 1 : i32
      %add3A_183 = arith.addi %select_n3A_171, %add3A_182 : i32
      %select_n3A_184 = arith.constant true
      %select_n3A_185 = arith.select %select_n3A_184, %add3A_183, %select_n3A_171 : i32
      %eq3A_186 = arith.constant 16 : i32
      %eq3A_187 = arith.cmpi eq, %select_n3A_185, %eq3A_186 : i32
      %select_n3A_188 = arith.constant 0 : i32
      %select_n3A_189 = arith.select %eq3A_187, %select_n3A_188, %select_n3A_185 : i32
      %add3A_190 = arith.constant 1 : i32
      %add3A_191 = arith.addi %select_n3A_178, %add3A_190 : i32
      %select_n3A_192 = arith.select %eq3A_187, %add3A_191, %select_n3A_178 : i32
      %eq3A_193 = arith.constant 4 : i32
      %eq3A_194 = arith.cmpi eq, %select_n3A_192, %eq3A_193 : i32
      %select_n3A_195 = arith.constant 0 : i32
      %select_n3A_196 = arith.select %eq3A_194, %select_n3A_195, %select_n3A_192 : i32
      %add3A_197 = arith.constant 0 : i32
      %add3A_198 = arith.addi %select_n3A_196, %add3A_197 : i32
      %add3A_199 = arith.addi %select_n3A_189, %mul3A_6 : i32
      "tpu.trace_start"() <{level = 10 : i32, message = "ep_finalize"}> : () -> ()
      %rem3A_200 = arith.constant 2 : i32
      %rem3A_201 = arith.remui %scan3A_127#5, %rem3A_200 : i32
      %mul3A_202 = arith.constant 1 : i32
      %mul3A_203 = arith.muli %mul3A_202, %add3A_144 : i32
      %mul3A_204 = arith.constant 16 : i32
      %mul3A_205 = arith.muli %mul3A_204, %add3A_145 : i32
      %dma_wait3A = arith.constant 0 : i32
      %dma_wait3A_206 = arith.constant 0 : i32
      %dma_wait3A_207 = arith.constant 0 : i32
      %dma_wait3A_208 = tpu.memref_slice %run_scoped3A_10[%rem3A_201, %dma_wait3A, %dma_wait3A_206, %dma_wait3A_207] : memref<2x1x16x768xf32, #tpu.memory_space<vmem>> -> memref<1x1x16x768xf32, #tpu.memory_space<vmem>>
      %dma_wait3A_209 = tpu.memref_squeeze %dma_wait3A_208 : memref<1x1x16x768xf32, #tpu.memory_space<vmem>> -> memref<1x16x768xf32, #tpu.memory_space<vmem>>
      %dma_wait3A_210 = arith.constant 0 : i32
      %dma_wait3A_211 = tpu.memref_slice %arg4[%mul3A_203, %mul3A_205, %dma_wait3A_210] : memref<4x8192x768xf32, #tpu.memory_space<hbm>> -> memref<1x16x768xf32, #tpu.memory_space<hbm>>
      %dma_wait3A_212 = tpu.memref_slice %run_scoped3A_11[%rem3A_201] : memref<2x!tpu.dma_semaphore, #tpu.memory_space<semaphore_mem>> -> memref<1x!tpu.dma_semaphore, #tpu.memory_space<semaphore_mem>>
      %dma_wait3A_213 = tpu.memref_squeeze %dma_wait3A_212 : memref<1x!tpu.dma_semaphore, #tpu.memory_space<semaphore_mem>> -> memref<!tpu.dma_semaphore, #tpu.memory_space<semaphore_mem>>
      %dma_wait3A_214 = arith.constant 0 : i32
      %dma_wait3A_215 = tpu.memref_slice %arg4[%mul3A_203, %mul3A_205, %dma_wait3A_214] : memref<4x8192x768xf32, #tpu.memory_space<hbm>> -> memref<1x16x768xf32, #tpu.memory_space<hbm>>
      %dma_wait3A_216 = arith.constant 0 : i32
      %dma_wait3A_217 = arith.constant 0 : i32
      %dma_wait3A_218 = arith.constant 0 : i32
      %dma_wait3A_219 = tpu.memref_slice %run_scoped3A_10[%rem3A_201, %dma_wait3A_216, %dma_wait3A_217, %dma_wait3A_218] : memref<2x1x16x768xf32, #tpu.memory_space<vmem>> -> memref<1x1x16x768xf32, #tpu.memory_space<vmem>>
      %dma_wait3A_220 = tpu.memref_squeeze %dma_wait3A_219 : memref<1x1x16x768xf32, #tpu.memory_space<vmem>> -> memref<1x16x768xf32, #tpu.memory_space<vmem>>
      tpu.wait_dma2 semaphore(%dma_wait3A_213 : memref<!tpu.dma_semaphore, #tpu.memory_space<semaphore_mem>>) src(%dma_wait3A_220 : memref<1x16x768xf32, #tpu.memory_space<vmem>>) dst(%dma_wait3A_215 : memref<1x16x768xf32, #tpu.memory_space<hbm>>)
      "tpu.trace_stop"() : () -> ()
      tpu.yield
    }) : () -> ()
    return
  }
}

</mosaic_0001>

<sc_bundles>
// kernel: kernel.3.cloned.1.call-start
scs
__scs_entry_jumppad:
0x0: {  	(pc) =	sbr.rel $0x88, $3  }
0x1: {  	(tag) =	ssettag $0x0;
	lr =	simm.s32 $0x1  }
0x2: {  	[smem:$0x3F9F] =	sst lr;
	_ =	strace $0xD0000000  }
0x3: {  	_ = 	snop  }
0x4: {  	_ = 	snop  }
0x5: {  	_ = 	snop  }
0x6: {  	_ = 	snop  }
0x7: {  	_ = 	snop  }
__scs_overlays_trampoline_lowered:
0x8: {  	[smem:$0x3FAE] =	sst s0  }
0x9: {  	[smem:$0x3FAF] =	sst s1  }
0xa: {  	[smem:$0x3FB0] =	sst s2  }
0xb: {  	[smem:$0x3FB1] =	sst s3  }
0xc: {  	[smem:$0x3FB2] =	sst s4  }
0xd: {  	[smem:$0x3FB3] =	sst s5  }
0xe: {  	[smem:$0x3FB4] =	sst s6  }
0xf: {  	[smem:$0x3FB5] =	sst s7  }
0x10: {  	[smem:$0x3FB6] =	sst s8  }
0x11: {  	[smem:$0x3FB7] =	sst s9;
	s0 =	simm.s32 @!p0 $0x0  }
0x12: {  	s1 =	sld [smem:$0x3F9D];
	s0 =	simm.s32 @p0 $0x1  }
0x13: {  	[smem:$0x3FB8] =	sst s0;
	s0 =	simm.s32 @!p1 $0x0  }
0x14: {  	s2 =	sld [smem:$0x3F9C];
	s0 =	simm.s32 @p1 $0x1  }
0x15: {  	[smem:$0x3FB9] =	sst s0;
	s0 =	simm.s32 @!p2 $0x0  }
0x16: {  	s3 =	sld [smem:$0x3FDB];
	s0 =	simm.s32 @p2 $0x1  }
0x17: {  	s4 =	simm.s32 $0x1BF5;
	[smem:$0x3FBB] =	sst s0  }
0x18: {  	s0 =	sld [smem:$0x3F9E];
	_ =	swait.ge [sflag:s4], $0x0  }
0x19: {  	s7 =	sld [smem:$0x3F9F]  }
0x1a: {  	s8 =	sadd.s32 $0xFFFFE003, lr  }
0x1b: {  	s9 =	sadd.s32 $0xFFFFFEF7, lr;
	s5 =	simm.s32 $0xFFFFFFFF;
	p2 =	slt.u32 s8, $0xFFFFF086  }
0x1c: {  	p1 =	slt.u32 s9, $0xF7A;
	s5 =	simm.s32 @!p2 $0x0  }
0x1d: {  	s5 =	simm.s32 @p1 $0x1;
	p0 =	seq.s32 s7, s2  }
0x1e: {  	s7 =	smul.u32 @!p0 $0xF7A, s2;
	p2 =	seq.s32 @!p0 s5, $0x0  }
0x1f: {  	s9 =	smul.u32 $0xF7A, s1;
	s8 =	simm.s32 @!p0 $0x1BF5;
	p2 =	por !p2, p0  }
0x20: {  	[sflag:s8] =	ssyncset.s32 @!p0 $0xFFFFF086;
	s6 =	sadd.s32 @!p0 s3, s7;
	s7 =	simm.s32 @!p0 $0x108  }
0x21: {  	s3 =	sadd.s32 s3, s9;
	s6 =	sadd.s32 @!p0 $0x88, s6;
	s7 =	simm.s32 @p2 $0x1082  }
0x22: {  	[simem:s7], [sflag:s8] =	dma.local @!p0 [hbm:s6], $0xF7A  }
0x23: {  	s9 =	sor.u32 $0xD0000000, s2;
	s6 =	simm.s32 $0x108;
	_ =	swait.ge @!p0 [sflag:s8], $0x0  }
0x24: {  	s3 =	sadd.s32 $0x88, s3;
	s6 =	simm.s32 @!p1 $0x1082;
	[sflag:s4] =	ssyncset.s32 $0xFFFFF086  }
0x25: {  	[simem:s6], [sflag:s4] =	dma.local [hbm:s3], $0xF7A  }
0x26: {  	[smem:$0x3F9F] =	sst s1;
	(tag) =	ssettag s2;
	_ =	strace s9  }
0x27: {  	s1 =	sld [smem:$0x3FAF]  }
0x28: {  	s2 =	sld [smem:$0x3FB0]  }
0x29: {  	s4 =	sld [smem:$0x3FB2]  }
0x2a: {  	p0 =	seq.s32 s5, $0x0;
	s5 =	sld [smem:$0x3FB3]  }
0x2b: {  	s6 =	sld [smem:$0x3FB4]  }
0x2c: {  	s7 =	sld [smem:$0x3FB5]  }
0x2d: {  	s3 =	simm.s32 $0x108;
	s8 =	sld [smem:$0x3FB6]  }
0x2e: {  	s3 =	simm.s32 @!p0 $0x1082;
	s9 =	sld [smem:$0x3FB7]  }
0x2f: {  	lr =	sadd.s32 s0, s3;
	s0 =	sld [smem:$0x3FAE]  }
0x30: {  	s3 =	sld [smem:$0x3FB1]  }
0x31: {  	[smem:$0x3FBA] =	sst s10  }
0x32: {  	s10 =	sld [smem:$0x3FB8];
	_ =	sdelay $0x3  }
0x33: {  	p0 =	seq.s32 s10, $0x1;
	s10 =	sld [smem:$0x3FBA];
	_ =	sdelay $0x3  }
0x34: {  	[smem:$0x3FBA] =	sst s10  }
0x35: {  	s10 =	sld [smem:$0x3FB9];
	_ =	sdelay $0x3  }
0x36: {  	p1 =	seq.s32 s10, $0x1;
	s10 =	sld [smem:$0x3FBA];
	_ =	sdelay $0x3  }
0x37: {  	[smem:$0x3FBA] =	sst s10  }
0x38: {  	s10 =	sld [smem:$0x3FBB]  }
0x39: {  	_ = 	snop;
	(pc) =	sbr.ind lr, $3  }
0x3a: {  	_ = 	snop  }
0x3b: {  	_ = 	snop  }
0x3c: {  	p2 =	seq.s32 s10, $0x1;
	s10 =	sld [smem:$0x3FBA]  }
0x3d: {  	_ =	shalt  }
0x3e: {  	_ =	shalt  }
0x3f: {  	_ =	shalt  }
0x40: {  	_ =	shalt  }
0x41: {  	_ =	shalt  }
0x42: {  	_ =	shalt  }
0x43: {  	_ =	shalt  }
0x44: {  	_ =	shalt  }
0x45: {  	_ =	shalt  }
0x46: {  	_ =	shalt  }
0x47: {  	_ =	shalt  }
0x48: {  	_ =	shalt  }
0x49: {  	_ =	shalt  }
0x4a: {  	_ =	shalt  }
0x4b: {  	_ =	shalt  }
0x4c: {  	_ =	shalt  }
0x4d: {  	_ =	shalt  }
0x4e: {  	_ =	shalt  }
0x4f: {  	_ =	shalt  }
0x50: {  	_ =	shalt  }
0x51: {  	_ =	shalt  }
0x52: {  	_ =	shalt  }
0x53: {  	_ =	shalt  }
0x54: {  	_ =	shalt  }
0x55: {  	_ =	shalt  }
0x56: {  	_ =	shalt  }
0x57: {  	_ =	shalt  }
0x58: {  	_ =	shalt  }
0x59: {  	_ =	shalt  }
0x5a: {  	_ =	shalt  }
0x5b: {  	_ =	shalt  }
0x5c: {  	_ =	shalt  }
0x5d: {  	_ =	shalt  }
0x5e: {  	_ =	shalt  }
0x5f: {  	_ =	shalt  }
0x60: {  	_ =	shalt  }
0x61: {  	_ =	shalt  }
0x62: {  	_ =	shalt  }
0x63: {  	_ =	shalt  }
0x64: {  	_ =	shalt  }
0x65: {  	_ =	shalt  }
0x66: {  	_ =	shalt  }
0x67: {  	_ =	shalt  }
0x68: {  	_ =	shalt  }
0x69: {  	_ =	shalt  }
0x6a: {  	_ =	shalt  }
0x6b: {  	_ =	shalt  }
0x6c: {  	_ =	shalt  }
0x6d: {  	_ =	shalt  }
0x6e: {  	_ =	shalt  }
0x6f: {  	_ =	shalt  }
0x70: {  	_ =	shalt  }
0x71: {  	_ =	shalt  }
0x72: {  	_ =	shalt  }
0x73: {  	_ =	shalt  }
0x74: {  	_ =	shalt  }
0x75: {  	_ =	shalt  }
0x76: {  	_ =	shalt  }
0x77: {  	_ =	shalt  }
0x78: {  	_ =	shalt  }
0x79: {  	_ =	shalt  }
0x7a: {  	_ =	shalt  }
0x7b: {  	_ =	shalt  }
0x7c: {  	_ =	shalt  }
0x7d: {  	_ =	shalt  }
0x7e: {  	_ =	shalt  }
0x7f: {  	_ =	shalt  }
0x80: {  	_ =	shalt  }
0x81: {  	_ =	shalt  }
0x82: {  	_ =	shalt  }
0x83: {  	_ =	shalt  }
0x84: {  	_ =	shalt  }
0x85: {  	_ =	shalt  }
0x86: {  	_ =	shalt  }
0x87: {  	_ =	shalt  }
.Lfunc_end0:
.L_simem_size_0:
called_computation_lowered:
.L_overlay_start_0:
0x88: {  	s2 =	sld [smem:$0x3FD9]  }
0x89: {  	s3 =	sld [smem:$0x3FFE];
	_ =	sdelay $0x1  }
0x8a: {  	s1 =	srdreg.scid  }
0x8b: {  	s0 =	sand.u32 $0x1, s1  }
0x8c: {  	s18 =	sshll.u32 s0, $0xA;
	s2 =	sadd.s32 s3, s2  }
0x8d: {  	s2 =	sadd.s32 s2, s18  }
0x8e: {  	[smem:$0x3FC6] =	sst s2  }
0x8f: {  	_ = 	snop  }
0x90: {  	s2 =	sld [smem:$0x3FC9]  }
0x91: {  	s19 =	sld [smem:$0x3FC8]  }
0x92: {  	s4 =	sld [smem:$0x3FD0];
	(tm) =	ssettm $0x1  }
0x93: {  	s5 =	sld [smem:$0x3FFB];
	_ =	sdelay $0x3  }
0x94: {  	_ =	strace s5  }
0x95: {  	s5 =	sld [smem:$0x3FFC];
	_ =	sdelay $0x3  }
0x96: {  	_ =	strace s5  }
0x97: {  	s5 =	sld [smem:$0x3FFD];
	_ =	sdelay $0x3  }
0x98: {  	_ =	strace s5  }
0x99: {  	_ =	strace $0x8FFFFFFF  }
0x9a: {  	s20 =	sld [smem:$0x3FDB];
	_ =	sdelay $0x1  }
0x9b: {  	s6 =	simm.s32 $_scs_section_size  }
0x9c: {  	s7 =	simm.s32 $_size__tile_overlayer_lowered;
	s8 =	simm.s32 $_tile_overlayer_lowered  }
0x9d: {  	s23 =	simm.s32 $0x1BFF;
	s22 =	sshll.u32 s8, $0x1;
	s5 =	sadd.s32 s6, s20  }
0x9e: {  	s9 =	simm.s32 $0x0;
	s21 =	sshll.u32 s7, $0x1;
	s7 =	sadd.s32 s22, s5  }
0x9f: {  	[timem:s9], [sflag:s23] =	dma.local [hbm:s7], s21  }
0xa0: {  	_ =	swait.ge [sflag:s23], s21  }
0xa1: {  	s6 =	ssub.s32 $0x0, s21;
	[sflag:s23] =	ssyncset.done $0x0  }
0xa2: {  	[sflag:s23] =	ssyncadd.s32 s6;
	_ =	sdelay $0x1  }
0xa3: {  	s24 =	simm.s32 $0x1B8B  }
0xa4: {  	_ =	swait.ge [sflag:s24], $0x1  }
0xa5: {  	[sflag:s24] =	ssyncset.done $0x0  }
0xa6: {  	s25 =	simm.s32 $0x1B8E;
	[sflag:s24] =	ssyncadd.s32 $0xFFFFFFFF  }
0xa7: {  	s26 =	simm.s32 $execute0_lowered;
	[smem:$0x3FD2] =	sst s25  }
0xa8: {  	s6 =	sshll.u32 s26, $0x1;
	_ =	strace $0x80000046;
	[dreg:$0x1] =	wrdreg $0xFFFFFFFF  }
0xa9: {  	s28 =	simm.s32 $_size_execute0_lowered;
	s5 =	sadd.s32 s5, s6;
	[dreg:$0x0] =	wrdreg $0x0  }
0xaa: {  	s6 =	sshll.u32 s28, $0x1;
	[dreg:$0x2] =	wrdreg s5  }
0xab: {  	[dreg:$0x3] =	wrdreg s6  }
0xac: {  	[dreg:$0x4] =	wrdreg $0xC0  }
0xad: {  	_ =	task [dreg:s9], $0x5FFFF  }
0xae: {  	[dreg:$0x1] =	wrdreg $0xFFFFFFFF  }
0xaf: {  	[dreg:$0x0] =	wrdreg $0x60  }
0xb0: {  	[dreg:$0x2] =	wrdreg s2  }
0xb1: {  	[dreg:$0x3] =	wrdreg s19  }
0xb2: {  	[dreg:$0x4] =	wrdreg s4  }
0xb3: {  	[dreg:$0x5] =	wrdreg $0x9  }
0xb4: {  	_ =	task.clear_ibuf [dreg:s9], $0x6FFFF;
	_ =	strace $0x90000046  }
0xb5: {  	s29 =	simm.s32 $0x9;
	_ =	strace $0x80000051  }
0xb6: {  	_ =	swait.ge [sflag:s29], $0x1  }
0xb7: {  	[sflag:s29] =	ssyncadd.s32 $0xFFFFFFFF  }
0xb8: {  	_ =	strace $0x90000051  }
0xb9: {  	_ =	sfence  }
0xba: {  	s30 =	sld [smem:$0x0];
	_ =	sdelay $0x2  }
0xbb: {  	s31 =	sshll.u32 s1, $0xD;
	s1 =	sshrl.u32 s1, $0x2  }
0xbc: {  	s3 =	sand.u32 $0x4000, s31;
	s1 =	sadd.s32 s1, s30  }
0xbd: {  	s0 =	sor.u32 s3, s0;
	s1 =	sshll.u32 s1, $0x11  }
0xbe: {  	s0 =	sor.u32 s1, s0  }
0xbf: {  	s0 =	sadd.s32 $0x8F2B, s0  }
0xc0: {  	[sflag:s0] =	ssyncadd.remote.s32 $0x1  }
0xc1: {  	_ =	sfence.sel $0xFFFF  }
0xc2: {  	[dreg:$0x0] =	wrdreg $0xFFFFFFFF;
	(pc) =	sbr.abs _section_cstart, $3  }
0xc3: {  	[dreg:$0x1] =	wrdreg $0xFFFFFFFF  }
0xc4: {  	_ =	task.clear_ibuf [dreg:s9], $0x2FFFF;
	_ =	strace $0x9FFFFFFF  }
0xc5: {  	(tm) =	ssettm $0x7FFFFFFF  }
tec
execute0_lowered:
.L_overlay_start_1:
0x0: {  	(tag) =	ssettag $0x1  }
0x1: {  	s1 =	rddreg [dreg:$0x0]  }
0x2: {  	s2 =	rddreg [dreg:$0x1];
	s0 =	srdreg.scid  }
0x3: {  	s4 =	rddreg [dreg:$0x2];
	s6 =	stileid.u32;
	s0 =	sand.u32 $0x1, s0  }
0x4: {  	s5 =	simm.s32 $0x0;
	s11 =	simm.s32 $0x6;
	s3 =	sshll.u32 s0, $0x4  }
0x5: {  	s12 =	simm.s32 $0x0;
	s0 =	ssub.s32 $0x2, s0;
	s3 =	sor.u32 s6, s3  }
0x6: {  	[smem:$0x7FF] =	sst s5;
	s31 =	sshrl.u32 s0, $0x1;
	s8 =	smul.u32 $0x6000, s3  }
0x7: {  	_ =	strace $0x80000047;
	s0 =	ssub.s32 s0, s31;
	s6 =	sshll.u32 s3, $0x4  }
0x8: {  	s9 =	smax.u32 s0, $0x1;
	s7 =	sadd.s32 s1, s8;
	s8 =	sadd.s32 s2, s8  }
.LBB2_1:
0x9: {  	_ =	strace $0x80000048;
	s0 =	simm.s32 $0x6000;
	s13 =	simm.s32 $0x0  }
0xa: {  	s22 =	simm.s32 $0x0;
	s14 =	simm.s32 $0x0;
	s15 =	simm.s32 $0x0  }
0xb: {  	[tilespmem:s5], [sflag:$0x1] =	stream.linear.gather [hbm4b:s7+s5], $0x3000, $0x200038;
	[tilespmem:$0x12000] =	vst v63  }
0xc: {  	s16 =	simm.s32 $0x0;
	s17 =	simm.s32 $0x1;
	s18 =	simm.s32 $0x0  }
0xd: {  	[tilespmem:s0], [sflag:$0x3] =	stream.linear.gather [hbm4b:s8+s5], $0x3000, $0x200038;
	[tilespmem:$0x12000] =	vst v63  }
0xe: {  	s19 =	simm.s32 $0x1;
	s20 =	simm.s32 $0x0;
	_ =	strace $0x90000048  }
.LBB2_2:
0xf: {  	s0 =	smov.u32 s13;
	s13 =	sadd.s32 $0x1, s13  }
0x10: {  	s3 =	simm.s32 $0x1;
	p0 =	seq.s32 s13, $0x10  }
0x11: {  	s3 =	simm.s32 @!p0 $0x0  }
0x12: {  	s21 =	sadd.s32 s3, s22  }
0x13: {  	p1 =	seq.s32 s21, $0x4  }
0x14: {  	s13 =	simm.s32 @p0 $0x0;
	s21 =	simm.s32 @p1 $0x0  }
0x15: {  	p0 =	sne.s32 s0, s13;
	p1 =	sne.s32 s22, s21  }
0x16: {  	p6 =	sne.s32 s20, $0x3F;
	p2 =	por p0, p1  }
0x17: {  	p3 =	por !p6, !p2  }
0x18: {  	p3 =	por !p3, !p3  }
0x19: {  	s3 =	sadd.s32 s6, s13;
	s10 =	smul.u32 @p3 $0x600000, s21  }
0x1a: {  	p1 =	por !p6, !p0;
	s23 =	smul.u32 @p3 $0x3000, s3;
	s24 =	sand.u32 @p3 $0x1, s19  }
0x1b: {  	p1 =	por !p1, !p1;
	_ =	strace @p3 $0x80000049;
	s25 =	smul.u32 @p3 $0xC000, s24  }
0x1c: {  	s26 =	simm.s32 @p3 $0x0;
	s3 =	smul.u32 @p1 $0x600, s3;
	s10 =	sadd.s32 @p3 s23, s10  }
0x1d: {  	s23 =	sshrl.u32 @p3 s25, $0x2;
	s10 =	sshrl.u32 @p3 s10, $0x3;
	s25 =	sand.u32 @p1 $0x1, s17  }
0x1e: {  	s24 =	sadd.s32 @p3 $0x1, s24;
	s10 =	sadd.s32 @p3 s1, s10;
	s28 =	smul.u32 @p1 $0xC000, s25  }
0x1f: {  	[tilespmem:s23], [sflag:s24] =	stream.linear.gather @p3 [hbm4b:s10+s26], $0x3000, $0x200038;
	[tilespmem:$0x12000] =	vst v63  }
0x20: {  	s3 =	sadd.s32 @p1 s2, s3;
	s23 =	sadd.s32 @p1 $0x3, s25  }
0x21: {  	s24 =	simm.s32 @p1 $0x0;
	_ =	strace @p3 $0x90000049;
	s10 =	sshrl.u32 @p1 s28, $0x2  }
0x22: {  	s26 =	sand.u32 $0x1, s16;
	_ =	strace @p1 $0x8000004A;
	s10 =	sadd.s32 @p1 $0x6000, s10  }
0x23: {  	[tilespmem:s10], [sflag:s23] =	stream.linear.gather @p1 [hbm4b:s3+s24], $0x3000, $0x200038;
	[tilespmem:$0x12000] =	vst v63  }
0x24: {  	s29 =	sadd.s32 $0x3, s26;
	s24 =	sand.u32 $0x1, s18  }
0x25: {  	s23 =	simm.s32 $0x1;
	s3 =	simm.s32 $0x3000;
	_ =	strace @p1 $0x9000004A  }
0x26: {  	s25 =	sadd.s32 $0x1, s24;
	s23 =	simm.s32 @!p3 $0x0;
	_ =	strace $0x8000004B  }
0x27: {  	s19 =	sadd.s32 s23, s19;
	s23 =	sand.u32 $0x1, s15;
	_ =	swait.ge [sflag:s25], $0x3000  }
0x28: {  	p3 =	seq.s32 s24, $0x1;
	s30 =	smul.u32 $0xC000, s23;
	[sflag:s25] =	ssyncset.done $0x0  }
0x29: {  	s24 =	sadd.s32 s6, s0;
	s0 =	simm.s32 $0x9000;
	[sflag:s25] =	ssyncadd.s32 $0xFFFFD000  }
0x2a: {  	s3 =	simm.s32 @!p3 $0x0;
	s31 =	sshrl.u32 s30, $0x2;
	_ =	strace $0x9000004B  }
0x2b: {  	p3 =	seq.s32 s26, $0x1;
	s25 =	sor.u32 $0xC000, s31;
	_ =	strace $0x8000004C  }
0x2c: {  	s0 =	simm.s32 @!p3 $0x6000;
	v2 =	vmov s25;
	_ =	swait.ge [sflag:s29], $0x3000  }
0x2d: {  	v1 =	vmov s0;
	[sflag:s29] =	ssyncset.done $0x0  }
0x2e: {  	v0 =	vmov s3;
	[sflag:s29] =	ssyncadd.s32 $0xFFFFD000  }
0x2f: {  	_ =	strace $0x9000004C  }
0x30: {  	s28 =	simm.s32 $0x0;
	s26 =	simm.s32 $0x0;
	_ =	strace $0x8000004D  }
.LBB2_3:
0x31: {  	s0 =	sshrl.u32 s28, $0x3  }
0x32: {  	s3 =	sshll.u32 s28, $0x7;
	s0 =	smul.u32 $0x1800, s0  }
0x33: {  	s3 =	sand.u32 $0x380, s3  }
0x34: {  	s29 =	sor.u32 s3, s0;
	s3 =	sand.u32 $0x1C00, s26  }
0x35: {  	s10 =	sand.u32 $0x70, s26;
	s0 =	sadd.s32 s29, s3  }
0x36: {  	s30 =	sor.u32 s10, s0  }
0x37: {  	v3 =	vld.idx.msk [tilespmem:v1+s30+$0x0 ss:$0x1], $0xffff  }
0x38: {  	v4 =	vld.idx.msk [tilespmem:v0+s30+$0x0 ss:$0x1], $0xffff;
	_ =	sdelay $0x3  }
0x39: {  	s31 =	simm.s32 $0x80  }
0x3a: {  	s3 =	simm.s32 $0x10;
	s10 =	sand.u32 $0x1C00, s31;
	v3 =	vadd.f32 v3, v4  }
0x3b: {  	s3 =	sand.u32 $0x70, s3;
	s0 =	simm.s32 $0x20;
	s10 =	sadd.s32 s29, s10  }
.LBB2_4:
0x3c: {  	p3 =	sne.s32 s0, $0x2F0;
	[tilespmem:v2+s30+$0x0 ss:$0x1] =	vst.idx.msk $0xffff, v3;
	s30 =	sor.u32 s3, s10  }
0x3d: {  	v3 =	vld.idx.msk [tilespmem:v1+s30+$0x0 ss:$0x1], $0xffff  }
0x3e: {  	v4 =	vld.idx.msk [tilespmem:v0+s30+$0x0 ss:$0x1], $0xffff;
	_ =	sdelay $0x2  }
.Ltmp0:
0x3f: {  	(pc) =	sbr.rel @p3 .LBB2_4-.Ltmp0, $4  }
0x40: {  	_ = 	snop  }
0x41: {  	s31 =	sadd.s32 $0x80, s31  }
0x42: {  	s10 =	sand.u32 $0x1C00, s31;
	v3 =	vadd.f32 v3, v4  }
0x43: {  	s3 =	sand.u32 $0x70, s0;
	s0 =	sadd.s32 $0x10, s0;
	s10 =	sadd.s32 s29, s10  }
0x44: {  	_ =	sdelay $0x3  }
0x45: {  	s0 =	sor.u32 s3, s10;
	[tilespmem:v2+s30+$0x0 ss:$0x1] =	vst.idx.msk $0xffff, v3  }
0x46: {  	v3 =	vld.idx.msk [tilespmem:v1+s0+$0x0 ss:$0x1], $0xffff  }
0x47: {  	v4 =	vld.idx.msk [tilespmem:v0+s0+$0x0 ss:$0x1], $0xffff  }
0x48: {  	s28 =	sadd.s32 $0x1, s28  }
0x49: {  	p3 =	sne.s32 s28, $0x10  }
.Ltmp1:
0x4a: {  	_ = 	snop;
	(pc) =	sbr.rel @p3 .LBB2_3-.Ltmp1, $3  }
0x4b: {  	_ = 	snop  }
0x4c: {  	v3 =	vadd.f32 v3, v4;
	_ =	sdelay $0x1  }
0x4d: {  	[tilespmem:v2+s0+$0x0 ss:$0x1] =	vst.idx.msk $0xffff, v3  }
0x4e: {  	p3 =	seq.s32 s20, $0x3F  }
0x4f: {  	p2 =	por p3, p2  }
0x50: {  	s0 =	smul.u32 @p2 $0x600000, s22  }
0x51: {  	s3 =	smul.u32 @p2 $0x3000, s24;
	_ =	sdelay $0x1  }
0x52: {  	_ =	strace $0x9000004D;
	p4 =	seq.s32 s20, $0x0;
	s0 =	sadd.s32 @p2 s0, s3  }
0x53: {  	p0 =	por p3, p0;
	_ =	strace @p2 $0x8000004E;
	s0 =	sshrl.u32 @p2 s0, $0x3  }
0x54: {  	s10 =	simm.s32 @p2 $0x0;
	s3 =	sadd.s32 @p2 $0x5, s23;
	s0 =	sadd.s32 @p2 s4, s0  }
0x55: {  	[hbm4b:s0+s10] =	stream.linear.scatter @p2 [tilespmem:s25], [sflag:s3], $0x3000, $0x200038;
	[tilespmem:$0x12000] =	vst v63  }
0x56: {  	s0 =	sand.u32 @!p4 $0x1, s14;
	s3 =	simm.s32 $0x1;
	_ =	strace @p2 $0x9000004E  }
0x57: {  	s0 =	sadd.s32 @!p4 $0x5, s0;
	s3 =	simm.s32 @!p1 $0x0;
	p1 =	sne.s32 s20, $0x0  }
0x58: {  	s20 =	sadd.s32 $0x1, s20;
	s17 =	sadd.s32 s3, s17;
	s3 =	simm.s32 $0x1  }
0x59: {  	_ =	strace @!p4 $0x8000004F;
	s3 =	simm.s32 @!p0 $0x0;
	p0 =	sne.s32 s20, $0x40  }
.Ltmp2:
0x5a: {  	_ =	swait.ge @!p4 [sflag:s0], $0x3000;
	(pc) =	sbr.rel @p0 .LBB2_2-.Ltmp2, $4  }
0x5b: {  	s22 =	smov.u32 s21;
	s10 =	simm.s32 $0x1;
	[sflag:s0] =	ssyncset.done @!p4 $0x0  }
0x5c: {  	s10 =	simm.s32 @!p2 $0x0;
	[sflag:s0] =	ssyncadd.s32 @!p4 $0xFFFFD000;
	s0 =	simm.s32 $0x1  }
0x5d: {  	s15 =	sadd.s32 s10, s15;
	s18 =	sadd.s32 s10, s18;
	s0 =	simm.s32 @!p1 $0x0  }
0x5e: {  	s16 =	sadd.s32 s3, s16;
	_ =	strace @!p4 $0x9000004F;
	s14 =	sadd.s32 s0, s14  }
0x5f: {  	s12 =	sadd.s32 $0x1, s12  }
0x60: {  	p0 =	sne.s32 s12, s9  }
.Ltmp3:
0x61: {  	_ =	strace $0x80000050;
	(pc) =	sbr.rel @p0 .LBB2_1-.Ltmp3, $4  }
0x62: {  	_ =	swait.ge [sflag:s11], $0x3000  }
0x63: {  	[sflag:s11] =	ssyncset.done $0x0  }
0x64: {  	[sflag:s11] =	ssyncadd.s32 $0xFFFFD000  }
0x65: {  	_ =	strace $0x90000050  }
0x66: {  	_ =	sfence.sel $0x180000  }
0x67: {  	[bflag:$0x0] =	sbarrier.arrive $0xFFFF  }
0x68: {  	_ =	strace $0x90000047  }
0x69: {  	s0 =	stileid.u32;
	[bflag:$0x2] =	sbarrier.arrive $0xFFFF  }
0x6a: {  	p0 =	sne.s32 s0, $0x0;
	s0 =	rddreg [dreg:$0x3]  }
0x6b: {  	s0 =	sadd.s32 @!p0 $0x100000, s0  }
0x6c: {  	[sflag:s0] =	ssyncadd.tile.s32 @!p0 $0x1;
	_ =	shalt  }
.Lfunc_end2:
_tile_overlayer_lowered:
.L_overlay_start_2:
0x6d: {  	(tag) =	ssettag $0x2  }
0x6e: {  	s0 =	rddreg [dreg:$0x0];
	s2 =	stileid.u32  }
0x6f: {  	s1 =	rddreg [dreg:$0x1];
	p0 =	sne.s32 s2, $0x0  }
0x70: {  	s3 =	rddreg [dreg:$0x2];
	[bflag:$0x3] =	sbarrier.arrive $0xFFFF;
	s2 =	simm.s32 @!p0 $0x1C01  }
0x71: {  	[timem:s3], [sflag:s2] =	dma.local @!p0 [hbm:s0], s1  }
0x72: {  	s0 =	simm.s32 @!p0 $0x1  }
0x73: {  	_ =	swait.ge @!p0 [sflag:s0], s1  }
0x74: {  	s1 =	ssub.s32 @!p0 $0x0, s1;
	[sflag:s0] =	ssyncset.done @!p0 $0x0  }
0x75: {  	[sflag:s0] =	ssyncadd.s32 @!p0 s1  }
0x76: {  	[bflag:$0x3] =	sbarrier.arrive $0xFFFF  }
0x77: {  	_ =	shalt  }

</sc_bundles>
